<compile_context>
chip_gen: v7x
topology: tpu7x:2x2x1
jax: 0.10.2.dev20260603
libtpu: 0.0.44.dev20260713+nightly
codegen_flags: <defaults>
</compile_context>

<pallas_src>
import functools

import jax
import jax.numpy as jnp
from jax import lax
from jax.experimental import pallas as pl
from jax.experimental.pallas import tpu as pltpu
from jax.experimental.pallas import tpu_sc as plsc

Q = 256
M = 8192
G = 1024
CN = 128
VOCAB = 16384
EPS = 1e-7
NC = 1
NW = NC * 16
MB = M // NW
L = 16


def _sc_body(ment_hbm, gold_hbm, clus_hbm, out_hbm, table_v, gold_v, clus_v,
             ment_v, out_v, sem):
    wid = lax.axis_index("s") * NC + lax.axis_index("c")
    base = wid * MB
    cp_g = pltpu.async_copy(gold_hbm, gold_v, sem)
    cp_c = pltpu.async_copy(clus_hbm, clus_v, sem)
    cp_m = pltpu.async_copy(ment_hbm.at[pl.ds(base, MB)], ment_v, sem)

    neg1 = jnp.full((L,), -1, jnp.int32)

    def init_body(i, c):
        table_v[pl.ds(i * L, L)] = neg1
        return c

    lax.fori_loop(0, VOCAB // L, init_body, 0, unroll=8)
    cp_g.wait()
    cp_c.wait()
    cp_m.wait()

    def scat_body(i, c):
        idx = gold_v[pl.ds(i * L, L)]
        val = clus_v[pl.ds(i * L, L)]
        plsc.store_scatter(table_v, [idx], val)
        return c

    lax.fori_loop(0, G // L, scat_body, 0, unroll=4)

    def gath_body(i, c):
        mi = ment_v[pl.ds(i * L, L)]
        out_v[pl.ds(i * L, L)] = plsc.load_gather(table_v, [mi])
        return c

    lax.fori_loop(0, MB // L, gath_body, 0, unroll=4)
    pltpu.sync_copy(out_v, out_hbm.at[pl.ds(base, MB)])


def _sc_cl_of_m(mention_ids, gold_words, cluster_ids):
    mesh = plsc.VectorSubcoreMesh(core_axis_name="c", subcore_axis_name="s",
                                  num_cores=NC)
    k = functools.partial(
        pl.kernel,
        mesh=mesh,
        compiler_params=pltpu.CompilerParams(needs_layout_passes=False),
        out_type=jax.ShapeDtypeStruct((M,), jnp.int32),
        scratch_types=[
            pltpu.VMEM((VOCAB,), jnp.int32),
            pltpu.VMEM((G,), jnp.int32),
            pltpu.VMEM((G,), jnp.int32),
            pltpu.VMEM((MB,), jnp.int32),
            pltpu.VMEM((MB,), jnp.int32),
            pltpu.SemaphoreType.DMA,
        ],
    )(_sc_body)
    return k(mention_ids, gold_words, cluster_ids)


def _tc_body(logits_ref, cl_ref, clus_ref, cim_ref,
             total_ref, coref_ref, junk_ref):
    M1 = M + 1
    nd = logits_ref[:, :M]
    cl = cl_ref[...]
    clus = clus_ref[...]

    p = jnp.clip(nd, EPS, 1.0 - EPS)
    lp = jnp.log(p)
    l1p = jnp.log(1.0 - p)

    ci_m = lax.broadcasted_iota(jnp.int32, (CN, M), 0)
    onehotT = (cl == ci_m).astype(jnp.float32)
    ci_g = lax.broadcasted_iota(jnp.int32, (CN, G), 0)
    onehot2T = (clus == ci_g).astype(jnp.float32)

    nt = (((1,), (1,)), ((), ()))
    AmT = lax.dot_general(onehotT, lp, nt, preferred_element_type=jnp.float32)
    BmT = lax.dot_general(onehotT, l1p, nt, preferred_element_type=jnp.float32)
    ones_m = jnp.ones((1, M), jnp.float32)
    ones_g = jnp.ones((1, G), jnp.float32)
    n_matched = lax.dot_general(onehotT, ones_m, nt,
                                preferred_element_type=jnp.float32)
    cnt = lax.dot_general(onehot2T, ones_g, nt,
                          preferred_element_type=jnp.float32)
    n_unm = cnt - n_matched

    L0 = jnp.float32(jnp.log(jnp.float32(EPS)))
    L1 = jnp.float32(jnp.log1p(jnp.float32(-EPS)))
    AT = AmT + n_unm * L0
    BT = BmT + n_unm * L1
    T1T = jnp.sum(BT, axis=0, keepdims=True)
    costT = -(AT + T1T - BT)

    lane_m1 = lax.broadcasted_iota(jnp.int32, (1, M1), 1)
    w_nd = (lane_m1 < M).astype(jnp.float32)
    w_dm = (lane_m1 == M).astype(jnp.float32)
    logits = logits_ref[...]
    ntf = (((1,), (1,)), ((), ()))
    rowsumT = lax.dot_general(w_nd, logits, ntf,
                              preferred_element_type=jnp.float32)
    dummyT = lax.dot_general(w_dm, logits, ntf,
                             preferred_element_type=jnp.float32)
    matched = (cl >= 0).astype(jnp.float32)
    msumT = lax.dot_general(matched, nd, nt,
                            preferred_element_type=jnp.float32)
    junkT = rowsumT - msumT
    jdT = junkT + dummyT

    num_clusters = jnp.max(clus) + 1
    subiota = lax.broadcasted_iota(jnp.int32, (CN, 1), 0)
    laneQ = lax.broadcasted_iota(jnp.int32, (1, Q), 1)
    key = (lax.broadcasted_iota(jnp.int32, (CN, Q), 1) * CN
           + lax.broadcasted_iota(jnp.int32, (CN, Q), 0))
    costT = jnp.where(subiota < num_clusters, costT, jnp.inf)
    BIGI = jnp.int32(Q * CN)

    def body(t, carry):
        cT, acc1, acc2, picked = carry
        active = t < num_clusters
        gmin = jnp.min(jnp.min(cT, axis=0, keepdims=True),
                       axis=1, keepdims=True)
        kmask = jnp.where(cT == gmin, key, BIGI)
        kstar = jnp.min(jnp.min(kmask, axis=0, keepdims=True),
                        axis=1, keepdims=True)
        qsel = laneQ == lax.shift_right_logical(kstar, 7)
        csel = subiota == jnp.bitwise_and(kstar, CN - 1)
        acc1 = acc1 + jnp.where(active, gmin, 0.0)
        acc2 = acc2 + jnp.where(active,
                                jnp.sum(jnp.where(qsel, jdT, 0.0),
                                        axis=1, keepdims=True), 0.0)
        picked = picked + jnp.where(active & qsel, 1.0, 0.0)
        cT = jnp.where((qsel | csel) & active, jnp.inf, cT)
        return cT, acc1, acc2, picked

    init = (costT, jnp.zeros((1, 1), jnp.float32), jnp.zeros((1, 1), jnp.float32),
            jnp.zeros((1, Q), jnp.float32))
    _, acc1, acc2, picked = lax.fori_loop(0, CN, body, init, unroll=8)
    acc1 = acc1[0, 0]
    acc2 = acc2[0, 0]

    num_valid = num_clusters.astype(jnp.float32)
    cost_coref = acc1 / (num_valid * G) + acc2 / num_valid
    pj = jnp.clip(jnp.minimum(junkT, 1.0), EPS, 1.0 - EPS)
    pd = jnp.clip(jnp.minimum(dummyT, 1.0), EPS, 1.0 - EPS)
    Jq = -T1T - jnp.log(1.0 - pj) - jnp.log(pd)
    num_junk = jnp.float32(Q) - num_valid
    cost_junk = jnp.sum((1.0 - picked) * Jq) / (num_junk * (G + 2))
    cim = cim_ref[0, 0]
    total = 5.0 * cost_coref + 5.0 * cost_junk + cim
    total_ref[0, 0] = total
    coref_ref[0, 0] = cost_coref
    junk_ref[0, 0] = cost_junk


def _tc_loss(coref_logits, cl_of_m, cluster_ids, cim):
    out_shapes = [jax.ShapeDtypeStruct((1, 1), jnp.float32)] * 3
    return pl.pallas_call(
        _tc_body,
        out_shape=out_shapes,
        out_specs=[pl.BlockSpec(memory_space=pltpu.SMEM)] * 3,
    )(coref_logits, cl_of_m, cluster_ids, cim)


def kernel(coref_logits, mention_ids, gold_words, cluster_ids, cost_is_mention):
    mention_ids = mention_ids.astype(jnp.int32)
    gold_words = gold_words.astype(jnp.int32)
    cluster_ids = cluster_ids.astype(jnp.int32)
    cl_of_m = _sc_cl_of_m(mention_ids, gold_words, cluster_ids)
    total, coref, junk = _tc_loss(
        coref_logits,
        cl_of_m.reshape(1, M),
        cluster_ids.reshape(1, G),
        cost_is_mention.reshape(1, 1).astype(jnp.float32),
    )
    return total[0, 0], coref[0, 0], junk[0, 0]

# --- scband reference (transcript-rebuilt; emitter-appended) ---
"""Pipeline reference for scband-matching-loss-51221779972247 (READ-ONLY COPY).

The authoritative reference and input builder live on the scoring server;
editing this copy changes nothing except your own understanding.
"""

import jax, jax.numpy as jnp
import numpy as np

NUM_QUERIES = 256
NUM_MENTIONS = 8192
NUM_GOLD = 1024
NUM_CLUSTERS = 128
VOCAB_POS = 16384
COST_COREF = 5.0
COST_IS_MENTION = 1.0


def setup_inputs(seed: int = 0) -> dict:
    key = jax.random.key(seed)
    k1, k2, k3, k4 = jax.random.split(key, 4)
    # word-position ids; permutation guarantees uniqueness (mention/gold word ids must be
    # duplicate-free for the gold-matrix construction, as in the original coref pipeline)
    perm = jax.random.permutation(k1, VOCAB_POS)
    gold_words = perm[:NUM_GOLD]
    mention_ids = perm[NUM_GOLD // 2: NUM_GOLD // 2 + NUM_MENTIONS]  # ~half the gold words are predicted mentions
    cluster_ids = jnp.sort(jax.random.randint(k2, (NUM_GOLD,), 0, NUM_CLUSTERS))
    coref_logits = jax.random.uniform(k3, (NUM_QUERIES, NUM_MENTIONS + 1), dtype=jnp.float32)
    cost_is_mention = jax.random.uniform(k4, (1,), dtype=jnp.float32)
    return {
        'coref_logits': coref_logits,
        'mention_ids': mention_ids,
        'gold_words': gold_words,
        'cluster_ids': cluster_ids,
        'cost_is_mention': cost_is_mention,
    }


def _bce(p, t):
    # torch F.binary_cross_entropy clamps log at -100; eps-clip is the numerically-safe jax analogue
    p = jnp.clip(p, 1e-7, 1.0 - 1e-7)
    return -(t * jnp.log(p) + (1.0 - t) * jnp.log1p(-p))


def _create_gold_matrix(coref_logits, mention_ids, gold_words, cluster_ids):
    Q = coref_logits.shape[0]
    G = gold_words.shape[0]
    gold_matrix = jnp.zeros((Q, G + 1), dtype=coref_logits.dtype)
    gold_matrix = gold_matrix.at[cluster_ids, jnp.arange(G)].set(1.0)
    non_dummy = coref_logits[:, :-1]  # [Q, M]
    # for each gold word, find the predicted mention with the same word id (if any)
    match = gold_words[:, None] == mention_ids[None, :]  # [G, M]
    has_match = jnp.any(match, axis=1)                    # [G]
    first_j = jnp.argmax(match, axis=1)                   # [G]
    gold_cols = jnp.where(has_match[None, :], non_dummy[:, first_j], 0.0)  # [Q, G]
    is_junk = jnp.logical_not(jnp.any(mention_ids[:, None] == gold_words[None, :], axis=1))  # [M]
    junk_col = jnp.sum(non_dummy * is_junk[None, :].astype(non_dummy.dtype), axis=1)  # [Q]
    new_logits = jnp.concatenate([gold_cols, junk_col[:, None], coref_logits[:, -1:]], axis=1)  # [Q, G+2]
    return gold_matrix, new_logits


def _match(new_logits, gold_matrix, num_clusters):
    # hungarian-style matcher (greedy assignment on BCE cost), indices are non-differentiable
    G = gold_matrix.shape[1] - 1
    Qn = new_logits.shape[0]
    Cn = NUM_CLUSTERS
    P = jnp.clip(new_logits[:, :G], 1e-7, 1.0 - 1e-7)  # [Q, G]
    Gm = gold_matrix[:Cn, :G]                          # [Cn, G]
    cost = -(Gm @ jnp.log(P).T + (1.0 - Gm) @ jnp.log1p(-P).T).T  # [Q, Cn]
    col_valid = jnp.arange(Cn) < num_clusters
    c0 = jnp.where(col_valid[None, :], jax.lax.stop_gradient(cost), jnp.inf)
    n = min(Qn, Cn)
    preds0 = jnp.zeros(n, dtype=jnp.int32)
    golds0 = jnp.zeros(n, dtype=jnp.int32)
    valid0 = jnp.zeros(n, dtype=bool)

    def body(t, carry):
        c, preds, golds, valid = carry
        active = t < num_clusters
        idx = jnp.argmin(c)
        q = (idx // Cn).astype(jnp.int32)
        cl = (idx % Cn).astype(jnp.int32)
        preds = preds.at[t].set(jnp.where(active, q, 0))
        golds = golds.at[t].set(jnp.where(active, cl, 0))
        valid = valid.at[t].set(active)
        c_new = c.at[q, :].set(jnp.inf).at[:, cl].set(jnp.inf)
        c = jnp.where(active, c_new, c)
        return c, preds, golds, valid

    _, preds, golds, valid = jax.lax.fori_loop(0, n, body, (c0, preds0, golds0, valid0))
    is_pred = jnp.any((jnp.arange(Qn)[:, None] == preds[None, :]) & valid[None, :], axis=1)
    junk_mask = jnp.logical_not(is_pred)
    return preds, golds, valid, junk_mask


def _loss(coref_logits, mention_ids, gold_words, cluster_ids, cost_is_mention, preds, golds, valid, junk_mask):
    gold_matrix, new_logits = _create_gold_matrix(coref_logits, mention_ids, gold_words, cluster_ids)
    G = gold_matrix.shape[1] - 1
    permuted = new_logits[preds, :-1]                       # [Cn, G+1]
    permuted = permuted.at[:, -1].add(new_logits[preds, -1])
    permuted_gold = gold_matrix[golds][:, :-1]              # [Cn, G]
    clamped = jnp.minimum(permuted[:, :-1], 1.0)
    vf = valid.astype(new_logits.dtype)
    num_valid = jnp.sum(vf)
    bce = _bce(clamped, permuted_gold)
    cost_coref = jnp.sum(bce * vf[:, None]) / (num_valid * G) + jnp.sum(permuted[:, -1] * vf) / num_valid
    junk_gold = jnp.concatenate([
        jnp.zeros_like(new_logits[:, :-1]),
        jnp.ones((new_logits.shape[0], 1), dtype=new_logits.dtype),
    ], axis=1)
    jf = junk_mask.astype(new_logits.dtype)
    num_junk = jnp.sum(jf)
    bce_j = _bce(jnp.minimum(new_logits, 1.0), junk_gold)
    cost_junk = jnp.sum(bce_j * jf[:, None]) / (num_junk * (G + 2))
    cim = jnp.mean(cost_is_mention)
    total = COST_COREF * cost_coref + COST_COREF * cost_junk + COST_IS_MENTION * cim
    return total, cost_coref, cost_junk


def reference(coref_logits, mention_ids, gold_words, cluster_ids, cost_is_mention):
    gold_matrix, new_logits = _create_gold_matrix(coref_logits, mention_ids, gold_words, cluster_ids)
    num_clusters = jnp.max(cluster_ids) + 1
    preds, golds, valid, junk_mask = _match(new_logits, gold_matrix, num_clusters)
    total, cost_coref, cost_junk = _loss(coref_logits, mention_ids, gold_words, cluster_ids, cost_is_mention, preds, golds, valid, junk_mask)
    return total, cost_coref, cost_junk


if False:  # reference __main__ guard neutralized (emitter)
    out = reference(**setup_inputs())
    print([np.asarray(o) for o in out])

if __name__ == "__main__":
    import jax
    _d = setup_inputs()
    print(jax.jit(kernel)(*tuple(_d.values())))

</pallas_src>

<mosaic_0001>
#map = affine_map<(d0, d1) -> (0)>
module attributes {stable_mosaic.version = 14 : i64} {
  func.func @_sc_body(%arg0: i32, %arg1: i32, %arg2: memref<8192xi32, #tpu.memory_space<hbm>>, %arg3: memref<1024xi32, #tpu.memory_space<hbm>>, %arg4: memref<1024xi32, #tpu.memory_space<hbm>>, %arg5: memref<8192xi32, #tpu.memory_space<hbm>>, %arg6: memref<16384xi32, #tpu.memory_space<vmem>>, %arg7: memref<1024xi32, #tpu.memory_space<vmem>>, %arg8: memref<1024xi32, #tpu.memory_space<vmem>>, %arg9: memref<512xi32, #tpu.memory_space<vmem>>, %arg10: memref<512xi32, #tpu.memory_space<vmem>>, %arg11: memref<!tpu.dma_semaphore, #tpu.memory_space<semaphore_mem>>) attributes {dimension_semantics = [#tpu.dimension_semantics<core_parallel>, #tpu.dimension_semantics<subcore_parallel>], iteration_bounds = array<i64: 1, 16>, scalar_prefetch = 0 : i64, scratch_operands = 6 : i64, tpu.core_type = #tpu.core_type<sc_vector_subcore>, window_params = [{transform_indices = #map}, {transform_indices = #map}, {transform_indices = #map}, {transform_indices = #map}]} {
    %mul3A = arith.constant 1 : i32
    %mul3A_0 = arith.muli %arg1, %mul3A : i32
    %add3A = arith.addi %mul3A_0, %arg0 : i32
    %mul3A_1 = arith.constant 512 : i32
    %mul3A_2 = arith.muli %add3A, %mul3A_1 : i32
    tpu.enqueue_dma source(%arg3 : memref<1024xi32, #tpu.memory_space<hbm>>) target(%arg7 : memref<1024xi32, #tpu.memory_space<vmem>>) target_semaphore(%arg11 : memref<!tpu.dma_semaphore, #tpu.memory_space<semaphore_mem>>)
    tpu.enqueue_dma source(%arg4 : memref<1024xi32, #tpu.memory_space<hbm>>) target(%arg8 : memref<1024xi32, #tpu.memory_space<vmem>>) target_semaphore(%arg11 : memref<!tpu.dma_semaphore, #tpu.memory_space<semaphore_mem>>)
    %dma_start3A = tpu.memref_slice %arg2[%mul3A_2] : memref<8192xi32, #tpu.memory_space<hbm>> -> memref<512xi32, #tpu.memory_space<hbm>>
    %dma_start3A_3 = tpu.memref_slice %arg2[%mul3A_2] : memref<8192xi32, #tpu.memory_space<hbm>> -> memref<512xi32, #tpu.memory_space<hbm>>
    tpu.enqueue_dma source(%dma_start3A_3 : memref<512xi32, #tpu.memory_space<hbm>>) target(%arg9 : memref<512xi32, #tpu.memory_space<vmem>>) target_semaphore(%arg11 : memref<!tpu.dma_semaphore, #tpu.memory_space<semaphore_mem>>)
    %broadcast_in_dim3A = arith.constant -1 : i32
    %broadcast_in_dim3A_4 = vector.broadcast %broadcast_in_dim3A : i32 to vector<16xi32>
    %scan3A = arith.constant 0 : i32
    %scan3A_5 = arith.constant 0 : i32
    %scan3A_6 = arith.constant 1024 : i32
    %scan3A_7 = arith.addi %scan3A_5, %scan3A_6 : i32
    %scan3A_8 = arith.constant 8 : i32
    scf.for %scan3A_23 = %scan3A_5 to %scan3A_7 step %scan3A_8  : i32 {
      %mul3A_24 = arith.constant 16 : i32
      %mul3A_25 = arith.muli %scan3A_23, %mul3A_24 : i32
      %swap3A = arith.index_cast %mul3A_25 : i32 to index
      %swap3A_26 = tpu.vector_load %arg6[%swap3A] {strides = array<i32>} : memref<16384xi32, #tpu.memory_space<vmem>>, vector<16xi32>,
      tpu.vector_store %arg6[%swap3A], %broadcast_in_dim3A_4 {strides = array<i32>} : memref<16384xi32, #tpu.memory_space<vmem>>, vector<16xi32>,
      %scan3A_27 = arith.constant 1 : i32
      %scan3A_28 = arith.addi %scan3A_23, %scan3A_27 : i32
      %mul3A_29 = arith.constant 16 : i32
      %mul3A_30 = arith.muli %scan3A_28, %mul3A_29 : i32
      %swap3A_31 = arith.index_cast %mul3A_30 : i32 to index
      %swap3A_32 = tpu.vector_load %arg6[%swap3A_31] {strides = array<i32>} : memref<16384xi32, #tpu.memory_space<vmem>>, vector<16xi32>,
      tpu.vector_store %arg6[%swap3A_31], %broadcast_in_dim3A_4 {strides = array<i32>} : memref<16384xi32, #tpu.memory_space<vmem>>, vector<16xi32>,
      %scan3A_33 = arith.constant 2 : i32
      %scan3A_34 = arith.addi %scan3A_23, %scan3A_33 : i32
      %mul3A_35 = arith.constant 16 : i32
      %mul3A_36 = arith.muli %scan3A_34, %mul3A_35 : i32
      %swap3A_37 = arith.index_cast %mul3A_36 : i32 to index
      %swap3A_38 = tpu.vector_load %arg6[%swap3A_37] {strides = array<i32>} : memref<16384xi32, #tpu.memory_space<vmem>>, vector<16xi32>,
      tpu.vector_store %arg6[%swap3A_37], %broadcast_in_dim3A_4 {strides = array<i32>} : memref<16384xi32, #tpu.memory_space<vmem>>, vector<16xi32>,
      %scan3A_39 = arith.constant 3 : i32
      %scan3A_40 = arith.addi %scan3A_23, %scan3A_39 : i32
      %mul3A_41 = arith.constant 16 : i32
      %mul3A_42 = arith.muli %scan3A_40, %mul3A_41 : i32
      %swap3A_43 = arith.index_cast %mul3A_42 : i32 to index
      %swap3A_44 = tpu.vector_load %arg6[%swap3A_43] {strides = array<i32>} : memref<16384xi32, #tpu.memory_space<vmem>>, vector<16xi32>,
      tpu.vector_store %arg6[%swap3A_43], %broadcast_in_dim3A_4 {strides = array<i32>} : memref<16384xi32, #tpu.memory_space<vmem>>, vector<16xi32>,
      %scan3A_45 = arith.constant 4 : i32
      %scan3A_46 = arith.addi %scan3A_23, %scan3A_45 : i32
      %mul3A_47 = arith.constant 16 : i32
      %mul3A_48 = arith.muli %scan3A_46, %mul3A_47 : i32
      %swap3A_49 = arith.index_cast %mul3A_48 : i32 to index
      %swap3A_50 = tpu.vector_load %arg6[%swap3A_49] {strides = array<i32>} : memref<16384xi32, #tpu.memory_space<vmem>>, vector<16xi32>,
      tpu.vector_store %arg6[%swap3A_49], %broadcast_in_dim3A_4 {strides = array<i32>} : memref<16384xi32, #tpu.memory_space<vmem>>, vector<16xi32>,
      %scan3A_51 = arith.constant 5 : i32
      %scan3A_52 = arith.addi %scan3A_23, %scan3A_51 : i32
      %mul3A_53 = arith.constant 16 : i32
      %mul3A_54 = arith.muli %scan3A_52, %mul3A_53 : i32
      %swap3A_55 = arith.index_cast %mul3A_54 : i32 to index
      %swap3A_56 = tpu.vector_load %arg6[%swap3A_55] {strides = array<i32>} : memref<16384xi32, #tpu.memory_space<vmem>>, vector<16xi32>,
      tpu.vector_store %arg6[%swap3A_55], %broadcast_in_dim3A_4 {strides = array<i32>} : memref<16384xi32, #tpu.memory_space<vmem>>, vector<16xi32>,
      %scan3A_57 = arith.constant 6 : i32
      %scan3A_58 = arith.addi %scan3A_23, %scan3A_57 : i32
      %mul3A_59 = arith.constant 16 : i32
      %mul3A_60 = arith.muli %scan3A_58, %mul3A_59 : i32
      %swap3A_61 = arith.index_cast %mul3A_60 : i32 to index
      %swap3A_62 = tpu.vector_load %arg6[%swap3A_61] {strides = array<i32>} : memref<16384xi32, #tpu.memory_space<vmem>>, vector<16xi32>,
      tpu.vector_store %arg6[%swap3A_61], %broadcast_in_dim3A_4 {strides = array<i32>} : memref<16384xi32, #tpu.memory_space<vmem>>, vector<16xi32>,
      %scan3A_63 = arith.constant 7 : i32
      %scan3A_64 = arith.addi %scan3A_23, %scan3A_63 : i32
      %mul3A_65 = arith.constant 16 : i32
      %mul3A_66 = arith.muli %scan3A_64, %mul3A_65 : i32
      %swap3A_67 = arith.index_cast %mul3A_66 : i32 to index
      %swap3A_68 = tpu.vector_load %arg6[%swap3A_67] {strides = array<i32>} : memref<16384xi32, #tpu.memory_space<vmem>>, vector<16xi32>,
      tpu.vector_store %arg6[%swap3A_67], %broadcast_in_dim3A_4 {strides = array<i32>} : memref<16384xi32, #tpu.memory_space<vmem>>, vector<16xi32>,
    }
    %scan3A_9 = arith.constant 1024 : i32
    tpu.wait_dma2 semaphore(%arg11 : memref<!tpu.dma_semaphore, #tpu.memory_space<semaphore_mem>>) src(%arg3 : memref<1024xi32, #tpu.memory_space<hbm>>) dst(%arg7 : memref<1024xi32, #tpu.memory_space<vmem>>)
    tpu.wait_dma2 semaphore(%arg11 : memref<!tpu.dma_semaphore, #tpu.memory_space<semaphore_mem>>) src(%arg4 : memref<1024xi32, #tpu.memory_space<hbm>>) dst(%arg8 : memref<1024xi32, #tpu.memory_space<vmem>>)
    %dma_wait3A = tpu.memref_slice %arg2[%mul3A_2] : memref<8192xi32, #tpu.memory_space<hbm>> -> memref<512xi32, #tpu.memory_space<hbm>>
    %dma_wait3A_10 = tpu.memref_slice %arg2[%mul3A_2] : memref<8192xi32, #tpu.memory_space<hbm>> -> memref<512xi32, #tpu.memory_space<hbm>>
    tpu.wait_dma2 semaphore(%arg11 : memref<!tpu.dma_semaphore, #tpu.memory_space<semaphore_mem>>) src(%dma_wait3A_10 : memref<512xi32, #tpu.memory_space<hbm>>) dst(%arg9 : memref<512xi32, #tpu.memory_space<vmem>>)
    %scan3A_11 = arith.constant 0 : i32
    %scan3A_12 = arith.constant 0 : i32
    %scan3A_13 = arith.constant 64 : i32
    %scan3A_14 = arith.addi %scan3A_12, %scan3A_13 : i32
    %scan3A_15 = arith.constant 4 : i32
    scf.for %scan3A_23 = %scan3A_12 to %scan3A_14 step %scan3A_15  : i32 {
      %mul3A_24 = arith.constant 16 : i32
      %mul3A_25 = arith.muli %scan3A_23, %mul3A_24 : i32
      %get3A = arith.index_cast %mul3A_25 : i32 to index
      %get3A_26 = tpu.vector_load %arg7[%get3A] {strides = array<i32>} : memref<1024xi32, #tpu.memory_space<vmem>>, vector<16xi32>,
      %mul3A_27 = arith.constant 16 : i32
      %mul3A_28 = arith.muli %scan3A_23, %mul3A_27 : i32
      %get3A_29 = arith.index_cast %mul3A_28 : i32 to index
      %get3A_30 = tpu.vector_load %arg8[%get3A_29] {strides = array<i32>} : memref<1024xi32, #tpu.memory_space<vmem>>, vector<16xi32>,
      tpu.vector_store_idx %arg6[%get3A_26], %get3A_30 : memref<16384xi32, #tpu.memory_space<vmem>>[vector<16xi32>], vector<16xi32>,
      %scan3A_31 = arith.constant 1 : i32
      %scan3A_32 = arith.addi %scan3A_23, %scan3A_31 : i32
      %mul3A_33 = arith.constant 16 : i32
      %mul3A_34 = arith.muli %scan3A_32, %mul3A_33 : i32
      %get3A_35 = arith.index_cast %mul3A_34 : i32 to index
      %get3A_36 = tpu.vector_load %arg7[%get3A_35] {strides = array<i32>} : memref<1024xi32, #tpu.memory_space<vmem>>, vector<16xi32>,
      %mul3A_37 = arith.constant 16 : i32
      %mul3A_38 = arith.muli %scan3A_32, %mul3A_37 : i32
      %get3A_39 = arith.index_cast %mul3A_38 : i32 to index
      %get3A_40 = tpu.vector_load %arg8[%get3A_39] {strides = array<i32>} : memref<1024xi32, #tpu.memory_space<vmem>>, vector<16xi32>,
      tpu.vector_store_idx %arg6[%get3A_36], %get3A_40 : memref<16384xi32, #tpu.memory_space<vmem>>[vector<16xi32>], vector<16xi32>,
      %scan3A_41 = arith.constant 2 : i32
      %scan3A_42 = arith.addi %scan3A_23, %scan3A_41 : i32
      %mul3A_43 = arith.constant 16 : i32
      %mul3A_44 = arith.muli %scan3A_42, %mul3A_43 : i32
      %get3A_45 = arith.index_cast %mul3A_44 : i32 to index
      %get3A_46 = tpu.vector_load %arg7[%get3A_45] {strides = array<i32>} : memref<1024xi32, #tpu.memory_space<vmem>>, vector<16xi32>,
      %mul3A_47 = arith.constant 16 : i32
      %mul3A_48 = arith.muli %scan3A_42, %mul3A_47 : i32
      %get3A_49 = arith.index_cast %mul3A_48 : i32 to index
      %get3A_50 = tpu.vector_load %arg8[%get3A_49] {strides = array<i32>} : memref<1024xi32, #tpu.memory_space<vmem>>, vector<16xi32>,
      tpu.vector_store_idx %arg6[%get3A_46], %get3A_50 : memref<16384xi32, #tpu.memory_space<vmem>>[vector<16xi32>], vector<16xi32>,
      %scan3A_51 = arith.constant 3 : i32
      %scan3A_52 = arith.addi %scan3A_23, %scan3A_51 : i32
      %mul3A_53 = arith.constant 16 : i32
      %mul3A_54 = arith.muli %scan3A_52, %mul3A_53 : i32
      %get3A_55 = arith.index_cast %mul3A_54 : i32 to index
      %get3A_56 = tpu.vector_load %arg7[%get3A_55] {strides = array<i32>} : memref<1024xi32, #tpu.memory_space<vmem>>, vector<16xi32>,
      %mul3A_57 = arith.constant 16 : i32
      %mul3A_58 = arith.muli %scan3A_52, %mul3A_57 : i32
      %get3A_59 = arith.index_cast %mul3A_58 : i32 to index
      %get3A_60 = tpu.vector_load %arg8[%get3A_59] {strides = array<i32>} : memref<1024xi32, #tpu.memory_space<vmem>>, vector<16xi32>,
      tpu.vector_store_idx %arg6[%get3A_56], %get3A_60 : memref<16384xi32, #tpu.memory_space<vmem>>[vector<16xi32>], vector<16xi32>,
    }
    %scan3A_16 = arith.constant 64 : i32
    %scan3A_17 = arith.constant 0 : i32
    %scan3A_18 = arith.constant 0 : i32
    %scan3A_19 = arith.constant 32 : i32
    %scan3A_20 = arith.addi %scan3A_18, %scan3A_19 : i32
    %scan3A_21 = arith.constant 4 : i32
    scf.for %scan3A_23 = %scan3A_18 to %scan3A_20 step %scan3A_21  : i32 {
      %mul3A_24 = arith.constant 16 : i32
      %mul3A_25 = arith.muli %scan3A_23, %mul3A_24 : i32
      %get3A = arith.index_cast %mul3A_25 : i32 to index
      %get3A_26 = tpu.vector_load %arg9[%get3A] {strides = array<i32>} : memref<512xi32, #tpu.memory_space<vmem>>, vector<16xi32>,
      %gather3A = tpu.vector_load_idx %arg6[%get3A_26] : memref<16384xi32, #tpu.memory_space<vmem>>[vector<16xi32>], vector<16xi32>,
      %mul3A_27 = arith.constant 16 : i32
      %mul3A_28 = arith.muli %scan3A_23, %mul3A_27 : i32
      %swap3A = arith.index_cast %mul3A_28 : i32 to index
      %swap3A_29 = tpu.vector_load %arg10[%swap3A] {strides = array<i32>} : memref<512xi32, #tpu.memory_space<vmem>>, vector<16xi32>,
      tpu.vector_store %arg10[%swap3A], %gather3A {strides = array<i32>} : memref<512xi32, #tpu.memory_space<vmem>>, vector<16xi32>,
      %scan3A_30 = arith.constant 1 : i32
      %scan3A_31 = arith.addi %scan3A_23, %scan3A_30 : i32
      %mul3A_32 = arith.constant 16 : i32
      %mul3A_33 = arith.muli %scan3A_31, %mul3A_32 : i32
      %get3A_34 = arith.index_cast %mul3A_33 : i32 to index
      %get3A_35 = tpu.vector_load %arg9[%get3A_34] {strides = array<i32>} : memref<512xi32, #tpu.memory_space<vmem>>, vector<16xi32>,
      %gather3A_36 = tpu.vector_load_idx %arg6[%get3A_35] : memref<16384xi32, #tpu.memory_space<vmem>>[vector<16xi32>], vector<16xi32>,
      %mul3A_37 = arith.constant 16 : i32
      %mul3A_38 = arith.muli %scan3A_31, %mul3A_37 : i32
      %swap3A_39 = arith.index_cast %mul3A_38 : i32 to index
      %swap3A_40 = tpu.vector_load %arg10[%swap3A_39] {strides = array<i32>} : memref<512xi32, #tpu.memory_space<vmem>>, vector<16xi32>,
      tpu.vector_store %arg10[%swap3A_39], %gather3A_36 {strides = array<i32>} : memref<512xi32, #tpu.memory_space<vmem>>, vector<16xi32>,
      %scan3A_41 = arith.constant 2 : i32
      %scan3A_42 = arith.addi %scan3A_23, %scan3A_41 : i32
      %mul3A_43 = arith.constant 16 : i32
      %mul3A_44 = arith.muli %scan3A_42, %mul3A_43 : i32
      %get3A_45 = arith.index_cast %mul3A_44 : i32 to index
      %get3A_46 = tpu.vector_load %arg9[%get3A_45] {strides = array<i32>} : memref<512xi32, #tpu.memory_space<vmem>>, vector<16xi32>,
      %gather3A_47 = tpu.vector_load_idx %arg6[%get3A_46] : memref<16384xi32, #tpu.memory_space<vmem>>[vector<16xi32>], vector<16xi32>,
      %mul3A_48 = arith.constant 16 : i32
      %mul3A_49 = arith.muli %scan3A_42, %mul3A_48 : i32
      %swap3A_50 = arith.index_cast %mul3A_49 : i32 to index
      %swap3A_51 = tpu.vector_load %arg10[%swap3A_50] {strides = array<i32>} : memref<512xi32, #tpu.memory_space<vmem>>, vector<16xi32>,
      tpu.vector_store %arg10[%swap3A_50], %gather3A_47 {strides = array<i32>} : memref<512xi32, #tpu.memory_space<vmem>>, vector<16xi32>,
      %scan3A_52 = arith.constant 3 : i32
      %scan3A_53 = arith.addi %scan3A_23, %scan3A_52 : i32
      %mul3A_54 = arith.constant 16 : i32
      %mul3A_55 = arith.muli %scan3A_53, %mul3A_54 : i32
      %get3A_56 = arith.index_cast %mul3A_55 : i32 to index
      %get3A_57 = tpu.vector_load %arg9[%get3A_56] {strides = array<i32>} : memref<512xi32, #tpu.memory_space<vmem>>, vector<16xi32>,
      %gather3A_58 = tpu.vector_load_idx %arg6[%get3A_57] : memref<16384xi32, #tpu.memory_space<vmem>>[vector<16xi32>], vector<16xi32>,
      %mul3A_59 = arith.constant 16 : i32
      %mul3A_60 = arith.muli %scan3A_53, %mul3A_59 : i32
      %swap3A_61 = arith.index_cast %mul3A_60 : i32 to index
      %swap3A_62 = tpu.vector_load %arg10[%swap3A_61] {strides = array<i32>} : memref<512xi32, #tpu.memory_space<vmem>>, vector<16xi32>,
      tpu.vector_store %arg10[%swap3A_61], %gather3A_58 {strides = array<i32>} : memref<512xi32, #tpu.memory_space<vmem>>, vector<16xi32>,
    }
    %scan3A_22 = arith.constant 32 : i32
    "tpu.region"() ({
      %run_scoped3A = tpu.sem_alloc : memref<!tpu.dma_semaphore, #tpu.memory_space<semaphore_mem>>
      %dma_start3A_23 = tpu.memref_slice %arg5[%mul3A_2] : memref<8192xi32, #tpu.memory_space<hbm>> -> memref<512xi32, #tpu.memory_space<hbm>>
      %dma_start3A_24 = tpu.memref_slice %arg5[%mul3A_2] : memref<8192xi32, #tpu.memory_space<hbm>> -> memref<512xi32, #tpu.memory_space<hbm>>
      tpu.enqueue_dma source(%arg10 : memref<512xi32, #tpu.memory_space<vmem>>) target(%dma_start3A_24 : memref<512xi32, #tpu.memory_space<hbm>>) target_semaphore(%run_scoped3A : memref<!tpu.dma_semaphore, #tpu.memory_space<semaphore_mem>>)
      %dma_wait3A_25 = tpu.memref_slice %arg5[%mul3A_2] : memref<8192xi32, #tpu.memory_space<hbm>> -> memref<512xi32, #tpu.memory_space<hbm>>
      %dma_wait3A_26 = tpu.memref_slice %arg5[%mul3A_2] : memref<8192xi32, #tpu.memory_space<hbm>> -> memref<512xi32, #tpu.memory_space<hbm>>
      tpu.wait_dma2 semaphore(%run_scoped3A : memref<!tpu.dma_semaphore, #tpu.memory_space<semaphore_mem>>) src(%arg10 : memref<512xi32, #tpu.memory_space<vmem>>) dst(%dma_wait3A_26 : memref<512xi32, #tpu.memory_space<hbm>>)
      tpu.yield
    }) : () -> ()
    return
  }
}

module attributes {stable_mosaic.version = 14 : i64} {
  func.func @_tc_body(%arg0: memref<256x8193xf32, #tpu.memory_space<vmem>>, %arg1: memref<1x8192xi32, #tpu.memory_space<vmem>>, %arg2: memref<1x1024xi32, #tpu.memory_space<vmem>>, %arg3: memref<1x1xf32, #tpu.memory_space<vmem>>, %arg4: memref<1x1xf32, #tpu.memory_space<smem>>, %arg5: memref<1x1xf32, #tpu.memory_space<smem>>, %arg6: memref<1x1xf32, #tpu.memory_space<smem>>) attributes {dimension_semantics = [], scalar_prefetch = 0 : i64, scratch_operands = 0 : i64, tpu.core_type = #tpu.core_type<tc>} {
    %get3A = arith.constant 0 : index
    %get3A_0 = arith.constant 0 : index
    %get3A_1 = vector.load %arg0[%get3A, %get3A_0] : memref<256x8193xf32, #tpu.memory_space<vmem>>, vector<256x8192xf32>
    %get3A_2 = arith.constant 0 : index
    %get3A_3 = arith.constant 0 : index
    %get3A_4 = vector.load %arg1[%get3A_2, %get3A_3] : memref<1x8192xi32, #tpu.memory_space<vmem>>, vector<1x8192xi32>
    %get3A_5 = arith.constant 0 : index
    %get3A_6 = arith.constant 0 : index
    %get3A_7 = vector.load %arg2[%get3A_5, %get3A_6] : memref<1x1024xi32, #tpu.memory_space<vmem>>, vector<1x1024xi32>
    %jit3A = arith.constant 1.000000e-07 : f32
    %jit3A_8 = arith.constant 0.99999988 : f32
    %max3A = vector.broadcast %jit3A : f32 to vector<256x8192xf32>
    %max3A_9 = arith.maximumf %max3A, %get3A_1 : vector<256x8192xf32>
    %min3A = vector.broadcast %jit3A_8 : f32 to vector<256x8192xf32>
    %min3A_10 = arith.minimumf %min3A, %max3A_9 : vector<256x8192xf32>
    %log3A = math.log %min3A_10 : vector<256x8192xf32>
    %sub3A = arith.constant 1.000000e+00 : f32
    %sub3A_11 = vector.broadcast %sub3A : f32 to vector<256x8192xf32>
    %sub3A_12 = arith.subf %sub3A_11, %min3A_10 : vector<256x8192xf32>
    %log3A_13 = math.log %sub3A_12 : vector<256x8192xf32>
    %iota3A = tpu.iota {dimensions = array<i32: 0>} : vector<128x8192xi32>
    %eq3A = vector.broadcast %get3A_4 : vector<1x8192xi32> to vector<128x8192xi32>
    %eq3A_14 = arith.cmpi eq, %eq3A, %iota3A : vector<128x8192xi32>
    %convert_element_type3A = arith.extui %eq3A_14 : vector<128x8192xi1> to vector<128x8192xi32>
    %convert_element_type3A_15 = arith.sitofp %convert_element_type3A : vector<128x8192xi32> to vector<128x8192xf32>
    %iota3A_16 = tpu.iota {dimensions = array<i32: 0>} : vector<128x1024xi32>
    %eq3A_17 = vector.broadcast %get3A_7 : vector<1x1024xi32> to vector<128x1024xi32>
    %eq3A_18 = arith.cmpi eq, %eq3A_17, %iota3A_16 : vector<128x1024xi32>
    %convert_element_type3A_19 = arith.extui %eq3A_18 : vector<128x1024xi1> to vector<128x1024xi32>
    %convert_element_type3A_20 = arith.sitofp %convert_element_type3A_19 : vector<128x1024xi32> to vector<128x1024xf32>
    %dot_general3A = arith.constant dense<0.000000e+00> : vector<128x256xf32>
    %dot_general3A_21 = tpu.matmul %convert_element_type3A_15, %log3A, %dot_general3A {dimension_numbers = #tpu.dot_dimension_numbers<[1], [1], [0], [0], [0, 0, 1, 0], [], []>, transpose_lhs_hint = false} : vector<128x8192xf32>, vector<256x8192xf32>, vector<128x256xf32> -> vector<128x256xf32>
    %dot_general3A_22 = arith.constant dense<0.000000e+00> : vector<128x256xf32>
    %dot_general3A_23 = tpu.matmul %convert_element_type3A_15, %log3A_13, %dot_general3A_22 {dimension_numbers = #tpu.dot_dimension_numbers<[1], [1], [0], [0], [0, 0, 1, 0], [], []>, transpose_lhs_hint = false} : vector<128x8192xf32>, vector<256x8192xf32>, vector<128x256xf32> -> vector<128x256xf32>
    %broadcast_in_dim3A = arith.constant 1.000000e+00 : f32
    %broadcast_in_dim3A_24 = vector.broadcast %broadcast_in_dim3A : f32 to vector<1x8192xf32>
    %broadcast_in_dim3A_25 = arith.constant 1.000000e+00 : f32
    %broadcast_in_dim3A_26 = vector.broadcast %broadcast_in_dim3A_25 : f32 to vector<1x1024xf32>
    %dot_general3A_27 = arith.constant dense<0.000000e+00> : vector<128x1xf32>
    %dot_general3A_28 = tpu.matmul %convert_element_type3A_15, %broadcast_in_dim3A_24, %dot_general3A_27 {dimension_numbers = #tpu.dot_dimension_numbers<[1], [1], [0], [0], [0, 0, 1, 0], [], []>, transpose_lhs_hint = false} : vector<128x8192xf32>, vector<1x8192xf32>, vector<128x1xf32> -> vector<128x1xf32>
    %dot_general3A_29 = arith.constant dense<0.000000e+00> : vector<128x1xf32>
    %dot_general3A_30 = tpu.matmul %convert_element_type3A_20, %broadcast_in_dim3A_26, %dot_general3A_29 {dimension_numbers = #tpu.dot_dimension_numbers<[1], [1], [0], [0], [0, 0, 1, 0], [], []>, transpose_lhs_hint = false} : vector<128x1024xf32>, vector<1x1024xf32>, vector<128x1xf32> -> vector<128x1xf32>
    %sub3A_31 = arith.subf %dot_general3A_30, %dot_general3A_28 : vector<128x1xf32>
    %log3A_32 = arith.constant 1.000000e-07 : f32
    %log3A_33 = math.log %log3A_32 : f32
    %log1p3A = arith.constant -1.000000e-07 : f32
    %log1p3A_34 = math.log1p %log1p3A : f32
    %mul3A = vector.broadcast %log3A_33 : f32 to vector<128x1xf32>
    %mul3A_35 = arith.mulf %sub3A_31, %mul3A : vector<128x1xf32>
    %add3A = vector.broadcast %mul3A_35 : vector<128x1xf32> to vector<128x256xf32>
    %add3A_36 = arith.addf %dot_general3A_21, %add3A : vector<128x256xf32>
    %mul3A_37 = vector.broadcast %log1p3A_34 : f32 to vector<128x1xf32>
    %mul3A_38 = arith.mulf %sub3A_31, %mul3A_37 : vector<128x1xf32>
    %add3A_39 = vector.broadcast %mul3A_38 : vector<128x1xf32> to vector<128x256xf32>
    %add3A_40 = arith.addf %dot_general3A_23, %add3A_39 : vector<128x256xf32>
    %reduce_sum3A = arith.constant dense<0.000000e+00> : vector<256xf32>
    %reduce_sum3A_41 = vector.multi_reduction <add>, %add3A_40, %reduce_sum3A [0] : vector<128x256xf32> to vector<256xf32>
    %broadcast_in_dim3A_42 = vector.shape_cast %reduce_sum3A_41 : vector<256xf32> to vector<1x256xf32>
    %add3A_43 = vector.broadcast %broadcast_in_dim3A_42 : vector<1x256xf32> to vector<128x256xf32>
    %add3A_44 = arith.addf %add3A_36, %add3A_43 : vector<128x256xf32>
    %sub3A_45 = arith.subf %add3A_44, %add3A_40 : vector<128x256xf32>
    %neg3A = arith.constant 0.000000e+00 : f32
    %neg3A_46 = vector.broadcast %neg3A : f32 to vector<128x256xf32>
    %neg3A_47 = arith.subf %neg3A_46, %sub3A_45 : vector<128x256xf32>
    %iota3A_48 = tpu.iota {dimensions = array<i32: 1>} : vector<1x8193xi32>
    %lt3A = arith.constant 8192 : i32
    %lt3A_49 = vector.broadcast %lt3A : i32 to vector<1x8193xi32>
    %lt3A_50 = arith.cmpi slt, %iota3A_48, %lt3A_49 : vector<1x8193xi32>
    %convert_element_type3A_51 = arith.extui %lt3A_50 : vector<1x8193xi1> to vector<1x8193xi32>
    %convert_element_type3A_52 = arith.sitofp %convert_element_type3A_51 : vector<1x8193xi32> to vector<1x8193xf32>
    %eq3A_53 = arith.constant 8192 : i32
    %eq3A_54 = vector.broadcast %eq3A_53 : i32 to vector<1x8193xi32>
    %eq3A_55 = arith.cmpi eq, %iota3A_48, %eq3A_54 : vector<1x8193xi32>
    %convert_element_type3A_56 = arith.extui %eq3A_55 : vector<1x8193xi1> to vector<1x8193xi32>
    %convert_element_type3A_57 = arith.sitofp %convert_element_type3A_56 : vector<1x8193xi32> to vector<1x8193xf32>
    %get3A_58 = arith.constant 0 : index
    %get3A_59 = arith.constant 0 : index
    %get3A_60 = vector.load %arg0[%get3A_58, %get3A_59] : memref<256x8193xf32, #tpu.memory_space<vmem>>, vector<256x8193xf32>
    %dot_general3A_61 = arith.constant dense<0.000000e+00> : vector<1x256xf32>
    %dot_general3A_62 = tpu.matmul %convert_element_type3A_52, %get3A_60, %dot_general3A_61 {dimension_numbers = #tpu.dot_dimension_numbers<[1], [1], [0], [0], [0, 0, 1, 0], [], []>, transpose_lhs_hint = false} : vector<1x8193xf32>, vector<256x8193xf32>, vector<1x256xf32> -> vector<1x256xf32>
    %dot_general3A_63 = arith.constant dense<0.000000e+00> : vector<1x256xf32>
    %dot_general3A_64 = tpu.matmul %convert_element_type3A_57, %get3A_60, %dot_general3A_63 {dimension_numbers = #tpu.dot_dimension_numbers<[1], [1], [0], [0], [0, 0, 1, 0], [], []>, transpose_lhs_hint = false} : vector<1x8193xf32>, vector<256x8193xf32>, vector<1x256xf32> -> vector<1x256xf32>
    %ge3A = arith.constant 0 : i32
    %ge3A_65 = vector.broadcast %ge3A : i32 to vector<1x8192xi32>
    %ge3A_66 = arith.cmpi sge, %get3A_4, %ge3A_65 : vector<1x8192xi32>
    %convert_element_type3A_67 = arith.extui %ge3A_66 : vector<1x8192xi1> to vector<1x8192xi32>
    %convert_element_type3A_68 = arith.sitofp %convert_element_type3A_67 : vector<1x8192xi32> to vector<1x8192xf32>
    %dot_general3A_69 = arith.constant dense<0.000000e+00> : vector<1x256xf32>
    %dot_general3A_70 = tpu.matmul %convert_element_type3A_68, %get3A_1, %dot_general3A_69 {dimension_numbers = #tpu.dot_dimension_numbers<[1], [1], [0], [0], [0, 0, 1, 0], [], []>, transpose_lhs_hint = false} : vector<1x8192xf32>, vector<256x8192xf32>, vector<1x256xf32> -> vector<1x256xf32>
    %sub3A_71 = arith.subf %dot_general3A_62, %dot_general3A_70 : vector<1x256xf32>
    %add3A_72 = arith.addf %sub3A_71, %dot_general3A_64 : vector<1x256xf32>
    %reduce_max3A = vector.shape_cast %get3A_7 : vector<1x1024xi32> to vector<1x1x1024xi32>
    %reduce_max3A_73 = arith.constant dense<-2147483648> : vector<1xi32>
    %reduce_max3A_74 = vector.multi_reduction <maxsi>, %reduce_max3A, %reduce_max3A_73 [1, 2] : vector<1x1x1024xi32> to vector<1xi32>
    %reduce_max3A_75 = vector.shape_cast %reduce_max3A_74 : vector<1xi32> to vector<1x1x1xi32>
    %reduce_max3A_76 = vector.extract %reduce_max3A_75[0, 0, 0] : i32 from vector<1x1x1xi32>
    %add3A_77 = arith.constant 1 : i32
    %add3A_78 = arith.addi %reduce_max3A_76, %add3A_77 : i32
    %iota3A_79 = tpu.iota {dimensions = array<i32: 0>} : vector<128x1xi32>
    %iota3A_80 = tpu.iota {dimensions = array<i32: 1>} : vector<1x256xi32>
    %iota3A_81 = tpu.iota {dimensions = array<i32: 1>} : vector<128x256xi32>
    %mul3A_82 = arith.constant 128 : i32
    %mul3A_83 = vector.broadcast %mul3A_82 : i32 to vector<128x256xi32>
    %mul3A_84 = arith.muli %iota3A_81, %mul3A_83 : vector<128x256xi32>
    %iota3A_85 = tpu.iota {dimensions = array<i32: 0>} : vector<128x256xi32>
    %add3A_86 = arith.addi %mul3A_84, %iota3A_85 : vector<128x256xi32>
    %lt3A_87 = vector.broadcast %add3A_78 : i32 to vector<128x1xi32>
    %lt3A_88 = arith.cmpi slt, %iota3A_79, %lt3A_87 : vector<128x1xi32>
    %jit3A_89 = arith.constant 0x7F800000 : f32
    %broadcast_in_dim3A_90 = vector.shape_cast %lt3A_88 : vector<128x1xi1> to vector<128x1xi1>
    %broadcast_in_dim3A_91 = vector.broadcast %broadcast_in_dim3A_90 : vector<128x1xi1> to vector<128x256xi1>
    %broadcast_in_dim3A_92 = vector.broadcast %jit3A_89 : f32 to vector<128x256xf32>
    %select_n3A = arith.select %broadcast_in_dim3A_91, %neg3A_47, %broadcast_in_dim3A_92 : vector<128x256xi1>, vector<128x256xf32>
    %broadcast_in_dim3A_93 = arith.constant 0.000000e+00 : f32
    %broadcast_in_dim3A_94 = vector.broadcast %broadcast_in_dim3A_93 : f32 to vector<1x1xf32>
    %broadcast_in_dim3A_95 = arith.constant 0.000000e+00 : f32
    %broadcast_in_dim3A_96 = vector.broadcast %broadcast_in_dim3A_95 : f32 to vector<1x1xf32>
    %broadcast_in_dim3A_97 = arith.constant 0.000000e+00 : f32
    %broadcast_in_dim3A_98 = vector.broadcast %broadcast_in_dim3A_97 : f32 to vector<1x256xf32>
    %scan3A = arith.constant 32768 : i32
    %scan3A_99 = arith.constant 0 : i32
    %scan3A_100 = arith.constant 128 : i32
    %scan3A_101 = arith.addi %scan3A_99, %scan3A_100 : i32
    %scan3A_102 = arith.constant 8 : i32
    %scan3A_103:4 = scf.for %scan3A_171 = %scan3A_99 to %scan3A_101 step %scan3A_102 iter_args(%scan3A_172 = %select_n3A, %scan3A_173 = %broadcast_in_dim3A_94, %scan3A_174 = %broadcast_in_dim3A_96, %scan3A_175 = %broadcast_in_dim3A_98) -> (vector<128x256xf32>, vector<1x1xf32>, vector<1x1xf32>, vector<1x256xf32>)  : i32 {
      %lt3A_176 = arith.cmpi slt, %scan3A_171, %add3A_78 : i32
      %reduce_min3A = arith.constant dense<0x7F800000> : vector<256xf32>
      %reduce_min3A_177 = vector.multi_reduction <minimumf>, %scan3A_172, %reduce_min3A [0] : vector<128x256xf32> to vector<256xf32>
      %broadcast_in_dim3A_178 = vector.shape_cast %reduce_min3A_177 : vector<256xf32> to vector<1x256xf32>
      %reduce_min3A_179 = arith.constant dense<0x7F800000> : vector<1xf32>
      %reduce_min3A_180 = vector.multi_reduction <minimumf>, %broadcast_in_dim3A_178, %reduce_min3A_179 [1] : vector<1x256xf32> to vector<1xf32>
      %broadcast_in_dim3A_181 = vector.shape_cast %reduce_min3A_180 : vector<1xf32> to vector<1x1xf32>
      %eq3A_182 = vector.broadcast %broadcast_in_dim3A_181 : vector<1x1xf32> to vector<128x256xf32>
      %eq3A_183 = arith.cmpf oeq, %scan3A_172, %eq3A_182 : vector<128x256xf32>
      %broadcast_in_dim3A_184 = vector.broadcast %scan3A : i32 to vector<128x256xi32>
      %select_n3A_185 = arith.select %eq3A_183, %add3A_86, %broadcast_in_dim3A_184 : vector<128x256xi1>, vector<128x256xi32>
      %reduce_min3A_186 = arith.constant dense<2147483647> : vector<256xi32>
      %reduce_min3A_187 = vector.multi_reduction <minsi>, %select_n3A_185, %reduce_min3A_186 [0] : vector<128x256xi32> to vector<256xi32>
      %broadcast_in_dim3A_188 = vector.shape_cast %reduce_min3A_187 : vector<256xi32> to vector<1x256xi32>
      %reduce_min3A_189 = arith.constant dense<2147483647> : vector<1xi32>
      %reduce_min3A_190 = vector.multi_reduction <minsi>, %broadcast_in_dim3A_188, %reduce_min3A_189 [1] : vector<1x256xi32> to vector<1xi32>
      %broadcast_in_dim3A_191 = vector.shape_cast %reduce_min3A_190 : vector<1xi32> to vector<1x1xi32>
      %shift_right_logical3A = arith.constant 7 : i32
      %shift_right_logical3A_192 = vector.broadcast %shift_right_logical3A : i32 to vector<1x1xi32>
      %shift_right_logical3A_193 = arith.shrui %broadcast_in_dim3A_191, %shift_right_logical3A_192 : vector<1x1xi32>
      %eq3A_194 = vector.broadcast %shift_right_logical3A_193 : vector<1x1xi32> to vector<1x256xi32>
      %eq3A_195 = arith.cmpi eq, %iota3A_80, %eq3A_194 : vector<1x256xi32>
      %and3A = arith.constant 127 : i32
      %and3A_196 = vector.broadcast %and3A : i32 to vector<1x1xi32>
      %and3A_197 = arith.andi %broadcast_in_dim3A_191, %and3A_196 : vector<1x1xi32>
      %eq3A_198 = vector.broadcast %and3A_197 : vector<1x1xi32> to vector<128x1xi32>
      %eq3A_199 = arith.cmpi eq, %iota3A_79, %eq3A_198 : vector<128x1xi32>
      %jit3A_200 = arith.constant 0.000000e+00 : f32
      %broadcast_in_dim3A_201 = vector.broadcast %jit3A_200 : f32 to vector<1x1xf32>
      %select_n3A_202 = arith.select %lt3A_176, %broadcast_in_dim3A_181, %broadcast_in_dim3A_201 : vector<1x1xf32>
      %add3A_203 = arith.addf %scan3A_173, %select_n3A_202 : vector<1x1xf32>
      %jit3A_204 = arith.constant 0.000000e+00 : f32
      %broadcast_in_dim3A_205 = vector.broadcast %jit3A_204 : f32 to vector<1x256xf32>
      %select_n3A_206 = arith.select %eq3A_195, %add3A_72, %broadcast_in_dim3A_205 : vector<1x256xi1>, vector<1x256xf32>
      %reduce_sum3A_207 = arith.constant dense<0.000000e+00> : vector<1xf32>
      %reduce_sum3A_208 = vector.multi_reduction <add>, %select_n3A_206, %reduce_sum3A_207 [1] : vector<1x256xf32> to vector<1xf32>
      %broadcast_in_dim3A_209 = vector.shape_cast %reduce_sum3A_208 : vector<1xf32> to vector<1x1xf32>
      %jit3A_210 = arith.constant 0.000000e+00 : f32
      %broadcast_in_dim3A_211 = vector.broadcast %jit3A_210 : f32 to vector<1x1xf32>
      %select_n3A_212 = arith.select %lt3A_176, %broadcast_in_dim3A_209, %broadcast_in_dim3A_211 : vector<1x1xf32>
      %add3A_213 = arith.addf %scan3A_174, %select_n3A_212 : vector<1x1xf32>
      %and3A_214 = vector.broadcast %lt3A_176 : i1 to vector<1x256xi1>
      %and3A_215 = arith.andi %and3A_214, %eq3A_195 : vector<1x256xi1>
      %jit3A_216 = arith.constant 1.000000e+00 : f32
      %jit3A_217 = arith.constant 0.000000e+00 : f32
      %broadcast_in_dim3A_218 = vector.broadcast %jit3A_216 : f32 to vector<1x256xf32>
      %broadcast_in_dim3A_219 = vector.broadcast %jit3A_217 : f32 to vector<1x256xf32>
      %select_n3A_220 = arith.select %and3A_215, %broadcast_in_dim3A_218, %broadcast_in_dim3A_219 : vector<1x256xi1>, vector<1x256xf32>
      %add3A_221 = arith.addf %scan3A_175, %select_n3A_220 : vector<1x256xf32>
      %or3A = vector.broadcast %eq3A_195 : vector<1x256xi1> to vector<128x256xi1>
      %or3A_222 = vector.broadcast %eq3A_199 : vector<128x1xi1> to vector<128x256xi1>
      %or3A_223 = arith.ori %or3A, %or3A_222 : vector<128x256xi1>
      %and3A_224 = vector.broadcast %lt3A_176 : i1 to vector<128x256xi1>
      %and3A_225 = arith.andi %or3A_223, %and3A_224 : vector<128x256xi1>
      %jit3A_226 = arith.constant 0x7F800000 : f32
      %broadcast_in_dim3A_227 = vector.broadcast %jit3A_226 : f32 to vector<128x256xf32>
      %select_n3A_228 = arith.select %and3A_225, %broadcast_in_dim3A_227, %scan3A_172 : vector<128x256xi1>, vector<128x256xf32>
      %scan3A_229 = arith.constant 1 : i32
      %scan3A_230 = arith.addi %scan3A_171, %scan3A_229 : i32
      %lt3A_231 = arith.cmpi slt, %scan3A_230, %add3A_78 : i32
      %reduce_min3A_232 = arith.constant dense<0x7F800000> : vector<256xf32>
      %reduce_min3A_233 = vector.multi_reduction <minimumf>, %select_n3A_228, %reduce_min3A_232 [0] : vector<128x256xf32> to vector<256xf32>
      %broadcast_in_dim3A_234 = vector.shape_cast %reduce_min3A_233 : vector<256xf32> to vector<1x256xf32>
      %reduce_min3A_235 = arith.constant dense<0x7F800000> : vector<1xf32>
      %reduce_min3A_236 = vector.multi_reduction <minimumf>, %broadcast_in_dim3A_234, %reduce_min3A_235 [1] : vector<1x256xf32> to vector<1xf32>
      %broadcast_in_dim3A_237 = vector.shape_cast %reduce_min3A_236 : vector<1xf32> to vector<1x1xf32>
      %eq3A_238 = vector.broadcast %broadcast_in_dim3A_237 : vector<1x1xf32> to vector<128x256xf32>
      %eq3A_239 = arith.cmpf oeq, %select_n3A_228, %eq3A_238 : vector<128x256xf32>
      %broadcast_in_dim3A_240 = vector.broadcast %scan3A : i32 to vector<128x256xi32>
      %select_n3A_241 = arith.select %eq3A_239, %add3A_86, %broadcast_in_dim3A_240 : vector<128x256xi1>, vector<128x256xi32>
      %reduce_min3A_242 = arith.constant dense<2147483647> : vector<256xi32>
      %reduce_min3A_243 = vector.multi_reduction <minsi>, %select_n3A_241, %reduce_min3A_242 [0] : vector<128x256xi32> to vector<256xi32>
      %broadcast_in_dim3A_244 = vector.shape_cast %reduce_min3A_243 : vector<256xi32> to vector<1x256xi32>
      %reduce_min3A_245 = arith.constant dense<2147483647> : vector<1xi32>
      %reduce_min3A_246 = vector.multi_reduction <minsi>, %broadcast_in_dim3A_244, %reduce_min3A_245 [1] : vector<1x256xi32> to vector<1xi32>
      %broadcast_in_dim3A_247 = vector.shape_cast %reduce_min3A_246 : vector<1xi32> to vector<1x1xi32>
      %shift_right_logical3A_248 = arith.constant 7 : i32
      %shift_right_logical3A_249 = vector.broadcast %shift_right_logical3A_248 : i32 to vector<1x1xi32>
      %shift_right_logical3A_250 = arith.shrui %broadcast_in_dim3A_247, %shift_right_logical3A_249 : vector<1x1xi32>
      %eq3A_251 = vector.broadcast %shift_right_logical3A_250 : vector<1x1xi32> to vector<1x256xi32>
      %eq3A_252 = arith.cmpi eq, %iota3A_80, %eq3A_251 : vector<1x256xi32>
      %and3A_253 = arith.constant 127 : i32
      %and3A_254 = vector.broadcast %and3A_253 : i32 to vector<1x1xi32>
      %and3A_255 = arith.andi %broadcast_in_dim3A_247, %and3A_254 : vector<1x1xi32>
      %eq3A_256 = vector.broadcast %and3A_255 : vector<1x1xi32> to vector<128x1xi32>
      %eq3A_257 = arith.cmpi eq, %iota3A_79, %eq3A_256 : vector<128x1xi32>
      %jit3A_258 = arith.constant 0.000000e+00 : f32
      %broadcast_in_dim3A_259 = vector.broadcast %jit3A_258 : f32 to vector<1x1xf32>
      %select_n3A_260 = arith.select %lt3A_231, %broadcast_in_dim3A_237, %broadcast_in_dim3A_259 : vector<1x1xf32>
      %add3A_261 = arith.addf %add3A_203, %select_n3A_260 : vector<1x1xf32>
      %jit3A_262 = arith.constant 0.000000e+00 : f32
      %broadcast_in_dim3A_263 = vector.broadcast %jit3A_262 : f32 to vector<1x256xf32>
      %select_n3A_264 = arith.select %eq3A_252, %add3A_72, %broadcast_in_dim3A_263 : vector<1x256xi1>, vector<1x256xf32>
      %reduce_sum3A_265 = arith.constant dense<0.000000e+00> : vector<1xf32>
      %reduce_sum3A_266 = vector.multi_reduction <add>, %select_n3A_264, %reduce_sum3A_265 [1] : vector<1x256xf32> to vector<1xf32>
      %broadcast_in_dim3A_267 = vector.shape_cast %reduce_sum3A_266 : vector<1xf32> to vector<1x1xf32>
      %jit3A_268 = arith.constant 0.000000e+00 : f32
      %broadcast_in_dim3A_269 = vector.broadcast %jit3A_268 : f32 to vector<1x1xf32>
      %select_n3A_270 = arith.select %lt3A_231, %broadcast_in_dim3A_267, %broadcast_in_dim3A_269 : vector<1x1xf32>
      %add3A_271 = arith.addf %add3A_213, %select_n3A_270 : vector<1x1xf32>
      %and3A_272 = vector.broadcast %lt3A_231 : i1 to vector<1x256xi1>
      %and3A_273 = arith.andi %and3A_272, %eq3A_252 : vector<1x256xi1>
      %jit3A_274 = arith.constant 1.000000e+00 : f32
      %jit3A_275 = arith.constant 0.000000e+00 : f32
      %broadcast_in_dim3A_276 = vector.broadcast %jit3A_274 : f32 to vector<1x256xf32>
      %broadcast_in_dim3A_277 = vector.broadcast %jit3A_275 : f32 to vector<1x256xf32>
      %select_n3A_278 = arith.select %and3A_273, %broadcast_in_dim3A_276, %broadcast_in_dim3A_277 : vector<1x256xi1>, vector<1x256xf32>
      %add3A_279 = arith.addf %add3A_221, %select_n3A_278 : vector<1x256xf32>
      %or3A_280 = vector.broadcast %eq3A_252 : vector<1x256xi1> to vector<128x256xi1>
      %or3A_281 = vector.broadcast %eq3A_257 : vector<128x1xi1> to vector<128x256xi1>
      %or3A_282 = arith.ori %or3A_280, %or3A_281 : vector<128x256xi1>
      %and3A_283 = vector.broadcast %lt3A_231 : i1 to vector<128x256xi1>
      %and3A_284 = arith.andi %or3A_282, %and3A_283 : vector<128x256xi1>
      %jit3A_285 = arith.constant 0x7F800000 : f32
      %broadcast_in_dim3A_286 = vector.broadcast %jit3A_285 : f32 to vector<128x256xf32>
      %select_n3A_287 = arith.select %and3A_284, %broadcast_in_dim3A_286, %select_n3A_228 : vector<128x256xi1>, vector<128x256xf32>
      %scan3A_288 = arith.constant 2 : i32
      %scan3A_289 = arith.addi %scan3A_171, %scan3A_288 : i32
      %lt3A_290 = arith.cmpi slt, %scan3A_289, %add3A_78 : i32
      %reduce_min3A_291 = arith.constant dense<0x7F800000> : vector<256xf32>
      %reduce_min3A_292 = vector.multi_reduction <minimumf>, %select_n3A_287, %reduce_min3A_291 [0] : vector<128x256xf32> to vector<256xf32>
      %broadcast_in_dim3A_293 = vector.shape_cast %reduce_min3A_292 : vector<256xf32> to vector<1x256xf32>
      %reduce_min3A_294 = arith.constant dense<0x7F800000> : vector<1xf32>
      %reduce_min3A_295 = vector.multi_reduction <minimumf>, %broadcast_in_dim3A_293, %reduce_min3A_294 [1] : vector<1x256xf32> to vector<1xf32>
      %broadcast_in_dim3A_296 = vector.shape_cast %reduce_min3A_295 : vector<1xf32> to vector<1x1xf32>
      %eq3A_297 = vector.broadcast %broadcast_in_dim3A_296 : vector<1x1xf32> to vector<128x256xf32>
      %eq3A_298 = arith.cmpf oeq, %select_n3A_287, %eq3A_297 : vector<128x256xf32>
      %broadcast_in_dim3A_299 = vector.broadcast %scan3A : i32 to vector<128x256xi32>
      %select_n3A_300 = arith.select %eq3A_298, %add3A_86, %broadcast_in_dim3A_299 : vector<128x256xi1>, vector<128x256xi32>
      %reduce_min3A_301 = arith.constant dense<2147483647> : vector<256xi32>
      %reduce_min3A_302 = vector.multi_reduction <minsi>, %select_n3A_300, %reduce_min3A_301 [0] : vector<128x256xi32> to vector<256xi32>
      %broadcast_in_dim3A_303 = vector.shape_cast %reduce_min3A_302 : vector<256xi32> to vector<1x256xi32>
      %reduce_min3A_304 = arith.constant dense<2147483647> : vector<1xi32>
      %reduce_min3A_305 = vector.multi_reduction <minsi>, %broadcast_in_dim3A_303, %reduce_min3A_304 [1] : vector<1x256xi32> to vector<1xi32>
      %broadcast_in_dim3A_306 = vector.shape_cast %reduce_min3A_305 : vector<1xi32> to vector<1x1xi32>
      %shift_right_logical3A_307 = arith.constant 7 : i32
      %shift_right_logical3A_308 = vector.broadcast %shift_right_logical3A_307 : i32 to vector<1x1xi32>
      %shift_right_logical3A_309 = arith.shrui %broadcast_in_dim3A_306, %shift_right_logical3A_308 : vector<1x1xi32>
      %eq3A_310 = vector.broadcast %shift_right_logical3A_309 : vector<1x1xi32> to vector<1x256xi32>
      %eq3A_311 = arith.cmpi eq, %iota3A_80, %eq3A_310 : vector<1x256xi32>
      %and3A_312 = arith.constant 127 : i32
      %and3A_313 = vector.broadcast %and3A_312 : i32 to vector<1x1xi32>
      %and3A_314 = arith.andi %broadcast_in_dim3A_306, %and3A_313 : vector<1x1xi32>
      %eq3A_315 = vector.broadcast %and3A_314 : vector<1x1xi32> to vector<128x1xi32>
      %eq3A_316 = arith.cmpi eq, %iota3A_79, %eq3A_315 : vector<128x1xi32>
      %jit3A_317 = arith.constant 0.000000e+00 : f32
      %broadcast_in_dim3A_318 = vector.broadcast %jit3A_317 : f32 to vector<1x1xf32>
      %select_n3A_319 = arith.select %lt3A_290, %broadcast_in_dim3A_296, %broadcast_in_dim3A_318 : vector<1x1xf32>
      %add3A_320 = arith.addf %add3A_261, %select_n3A_319 : vector<1x1xf32>
      %jit3A_321 = arith.constant 0.000000e+00 : f32
      %broadcast_in_dim3A_322 = vector.broadcast %jit3A_321 : f32 to vector<1x256xf32>
      %select_n3A_323 = arith.select %eq3A_311, %add3A_72, %broadcast_in_dim3A_322 : vector<1x256xi1>, vector<1x256xf32>
      %reduce_sum3A_324 = arith.constant dense<0.000000e+00> : vector<1xf32>
      %reduce_sum3A_325 = vector.multi_reduction <add>, %select_n3A_323, %reduce_sum3A_324 [1] : vector<1x256xf32> to vector<1xf32>
      %broadcast_in_dim3A_326 = vector.shape_cast %reduce_sum3A_325 : vector<1xf32> to vector<1x1xf32>
      %jit3A_327 = arith.constant 0.000000e+00 : f32
      %broadcast_in_dim3A_328 = vector.broadcast %jit3A_327 : f32 to vector<1x1xf32>
      %select_n3A_329 = arith.select %lt3A_290, %broadcast_in_dim3A_326, %broadcast_in_dim3A_328 : vector<1x1xf32>
      %add3A_330 = arith.addf %add3A_271, %select_n3A_329 : vector<1x1xf32>
      %and3A_331 = vector.broadcast %lt3A_290 : i1 to vector<1x256xi1>
      %and3A_332 = arith.andi %and3A_331, %eq3A_311 : vector<1x256xi1>
      %jit3A_333 = arith.constant 1.000000e+00 : f32
      %jit3A_334 = arith.constant 0.000000e+00 : f32
      %broadcast_in_dim3A_335 = vector.broadcast %jit3A_333 : f32 to vector<1x256xf32>
      %broadcast_in_dim3A_336 = vector.broadcast %jit3A_334 : f32 to vector<1x256xf32>
      %select_n3A_337 = arith.select %and3A_332, %broadcast_in_dim3A_335, %broadcast_in_dim3A_336 : vector<1x256xi1>, vector<1x256xf32>
      %add3A_338 = arith.addf %add3A_279, %select_n3A_337 : vector<1x256xf32>
      %or3A_339 = vector.broadcast %eq3A_311 : vector<1x256xi1> to vector<128x256xi1>
      %or3A_340 = vector.broadcast %eq3A_316 : vector<128x1xi1> to vector<128x256xi1>
      %or3A_341 = arith.ori %or3A_339, %or3A_340 : vector<128x256xi1>
      %and3A_342 = vector.broadcast %lt3A_290 : i1 to vector<128x256xi1>
      %and3A_343 = arith.andi %or3A_341, %and3A_342 : vector<128x256xi1>
      %jit3A_344 = arith.constant 0x7F800000 : f32
      %broadcast_in_dim3A_345 = vector.broadcast %jit3A_344 : f32 to vector<128x256xf32>
      %select_n3A_346 = arith.select %and3A_343, %broadcast_in_dim3A_345, %select_n3A_287 : vector<128x256xi1>, vector<128x256xf32>
      %scan3A_347 = arith.constant 3 : i32
      %scan3A_348 = arith.addi %scan3A_171, %scan3A_347 : i32
      %lt3A_349 = arith.cmpi slt, %scan3A_348, %add3A_78 : i32
      %reduce_min3A_350 = arith.constant dense<0x7F800000> : vector<256xf32>
      %reduce_min3A_351 = vector.multi_reduction <minimumf>, %select_n3A_346, %reduce_min3A_350 [0] : vector<128x256xf32> to vector<256xf32>
      %broadcast_in_dim3A_352 = vector.shape_cast %reduce_min3A_351 : vector<256xf32> to vector<1x256xf32>
      %reduce_min3A_353 = arith.constant dense<0x7F800000> : vector<1xf32>
      %reduce_min3A_354 = vector.multi_reduction <minimumf>, %broadcast_in_dim3A_352, %reduce_min3A_353 [1] : vector<1x256xf32> to vector<1xf32>
      %broadcast_in_dim3A_355 = vector.shape_cast %reduce_min3A_354 : vector<1xf32> to vector<1x1xf32>
      %eq3A_356 = vector.broadcast %broadcast_in_dim3A_355 : vector<1x1xf32> to vector<128x256xf32>
      %eq3A_357 = arith.cmpf oeq, %select_n3A_346, %eq3A_356 : vector<128x256xf32>
      %broadcast_in_dim3A_358 = vector.broadcast %scan3A : i32 to vector<128x256xi32>
      %select_n3A_359 = arith.select %eq3A_357, %add3A_86, %broadcast_in_dim3A_358 : vector<128x256xi1>, vector<128x256xi32>
      %reduce_min3A_360 = arith.constant dense<2147483647> : vector<256xi32>
      %reduce_min3A_361 = vector.multi_reduction <minsi>, %select_n3A_359, %reduce_min3A_360 [0] : vector<128x256xi32> to vector<256xi32>
      %broadcast_in_dim3A_362 = vector.shape_cast %reduce_min3A_361 : vector<256xi32> to vector<1x256xi32>
      %reduce_min3A_363 = arith.constant dense<2147483647> : vector<1xi32>
      %reduce_min3A_364 = vector.multi_reduction <minsi>, %broadcast_in_dim3A_362, %reduce_min3A_363 [1] : vector<1x256xi32> to vector<1xi32>
      %broadcast_in_dim3A_365 = vector.shape_cast %reduce_min3A_364 : vector<1xi32> to vector<1x1xi32>
      %shift_right_logical3A_366 = arith.constant 7 : i32
      %shift_right_logical3A_367 = vector.broadcast %shift_right_logical3A_366 : i32 to vector<1x1xi32>
      %shift_right_logical3A_368 = arith.shrui %broadcast_in_dim3A_365, %shift_right_logical3A_367 : vector<1x1xi32>
      %eq3A_369 = vector.broadcast %shift_right_logical3A_368 : vector<1x1xi32> to vector<1x256xi32>
      %eq3A_370 = arith.cmpi eq, %iota3A_80, %eq3A_369 : vector<1x256xi32>
      %and3A_371 = arith.constant 127 : i32
      %and3A_372 = vector.broadcast %and3A_371 : i32 to vector<1x1xi32>
      %and3A_373 = arith.andi %broadcast_in_dim3A_365, %and3A_372 : vector<1x1xi32>
      %eq3A_374 = vector.broadcast %and3A_373 : vector<1x1xi32> to vector<128x1xi32>
      %eq3A_375 = arith.cmpi eq, %iota3A_79, %eq3A_374 : vector<128x1xi32>
      %jit3A_376 = arith.constant 0.000000e+00 : f32
      %broadcast_in_dim3A_377 = vector.broadcast %jit3A_376 : f32 to vector<1x1xf32>
      %select_n3A_378 = arith.select %lt3A_349, %broadcast_in_dim3A_355, %broadcast_in_dim3A_377 : vector<1x1xf32>
      %add3A_379 = arith.addf %add3A_320, %select_n3A_378 : vector<1x1xf32>
      %jit3A_380 = arith.constant 0.000000e+00 : f32
      %broadcast_in_dim3A_381 = vector.broadcast %jit3A_380 : f32 to vector<1x256xf32>
      %select_n3A_382 = arith.select %eq3A_370, %add3A_72, %broadcast_in_dim3A_381 : vector<1x256xi1>, vector<1x256xf32>
      %reduce_sum3A_383 = arith.constant dense<0.000000e+00> : vector<1xf32>
      %reduce_sum3A_384 = vector.multi_reduction <add>, %select_n3A_382, %reduce_sum3A_383 [1] : vector<1x256xf32> to vector<1xf32>
      %broadcast_in_dim3A_385 = vector.shape_cast %reduce_sum3A_384 : vector<1xf32> to vector<1x1xf32>
      %jit3A_386 = arith.constant 0.000000e+00 : f32
      %broadcast_in_dim3A_387 = vector.broadcast %jit3A_386 : f32 to vector<1x1xf32>
      %select_n3A_388 = arith.select %lt3A_349, %broadcast_in_dim3A_385, %broadcast_in_dim3A_387 : vector<1x1xf32>
      %add3A_389 = arith.addf %add3A_330, %select_n3A_388 : vector<1x1xf32>
      %and3A_390 = vector.broadcast %lt3A_349 : i1 to vector<1x256xi1>
      %and3A_391 = arith.andi %and3A_390, %eq3A_370 : vector<1x256xi1>
      %jit3A_392 = arith.constant 1.000000e+00 : f32
      %jit3A_393 = arith.constant 0.000000e+00 : f32
      %broadcast_in_dim3A_394 = vector.broadcast %jit3A_392 : f32 to vector<1x256xf32>
      %broadcast_in_dim3A_395 = vector.broadcast %jit3A_393 : f32 to vector<1x256xf32>
      %select_n3A_396 = arith.select %and3A_391, %broadcast_in_dim3A_394, %broadcast_in_dim3A_395 : vector<1x256xi1>, vector<1x256xf32>
      %add3A_397 = arith.addf %add3A_338, %select_n3A_396 : vector<1x256xf32>
      %or3A_398 = vector.broadcast %eq3A_370 : vector<1x256xi1> to vector<128x256xi1>
      %or3A_399 = vector.broadcast %eq3A_375 : vector<128x1xi1> to vector<128x256xi1>
      %or3A_400 = arith.ori %or3A_398, %or3A_399 : vector<128x256xi1>
      %and3A_401 = vector.broadcast %lt3A_349 : i1 to vector<128x256xi1>
      %and3A_402 = arith.andi %or3A_400, %and3A_401 : vector<128x256xi1>
      %jit3A_403 = arith.constant 0x7F800000 : f32
      %broadcast_in_dim3A_404 = vector.broadcast %jit3A_403 : f32 to vector<128x256xf32>
      %select_n3A_405 = arith.select %and3A_402, %broadcast_in_dim3A_404, %select_n3A_346 : vector<128x256xi1>, vector<128x256xf32>
      %scan3A_406 = arith.constant 4 : i32
      %scan3A_407 = arith.addi %scan3A_171, %scan3A_406 : i32
      %lt3A_408 = arith.cmpi slt, %scan3A_407, %add3A_78 : i32
      %reduce_min3A_409 = arith.constant dense<0x7F800000> : vector<256xf32>
      %reduce_min3A_410 = vector.multi_reduction <minimumf>, %select_n3A_405, %reduce_min3A_409 [0] : vector<128x256xf32> to vector<256xf32>
      %broadcast_in_dim3A_411 = vector.shape_cast %reduce_min3A_410 : vector<256xf32> to vector<1x256xf32>
      %reduce_min3A_412 = arith.constant dense<0x7F800000> : vector<1xf32>
      %reduce_min3A_413 = vector.multi_reduction <minimumf>, %broadcast_in_dim3A_411, %reduce_min3A_412 [1] : vector<1x256xf32> to vector<1xf32>
      %broadcast_in_dim3A_414 = vector.shape_cast %reduce_min3A_413 : vector<1xf32> to vector<1x1xf32>
      %eq3A_415 = vector.broadcast %broadcast_in_dim3A_414 : vector<1x1xf32> to vector<128x256xf32>
      %eq3A_416 = arith.cmpf oeq, %select_n3A_405, %eq3A_415 : vector<128x256xf32>
      %broadcast_in_dim3A_417 = vector.broadcast %scan3A : i32 to vector<128x256xi32>
      %select_n3A_418 = arith.select %eq3A_416, %add3A_86, %broadcast_in_dim3A_417 : vector<128x256xi1>, vector<128x256xi32>
      %reduce_min3A_419 = arith.constant dense<2147483647> : vector<256xi32>
      %reduce_min3A_420 = vector.multi_reduction <minsi>, %select_n3A_418, %reduce_min3A_419 [0] : vector<128x256xi32> to vector<256xi32>
      %broadcast_in_dim3A_421 = vector.shape_cast %reduce_min3A_420 : vector<256xi32> to vector<1x256xi32>
      %reduce_min3A_422 = arith.constant dense<2147483647> : vector<1xi32>
      %reduce_min3A_423 = vector.multi_reduction <minsi>, %broadcast_in_dim3A_421, %reduce_min3A_422 [1] : vector<1x256xi32> to vector<1xi32>
      %broadcast_in_dim3A_424 = vector.shape_cast %reduce_min3A_423 : vector<1xi32> to vector<1x1xi32>
      %shift_right_logical3A_425 = arith.constant 7 : i32
      %shift_right_logical3A_426 = vector.broadcast %shift_right_logical3A_425 : i32 to vector<1x1xi32>
      %shift_right_logical3A_427 = arith.shrui %broadcast_in_dim3A_424, %shift_right_logical3A_426 : vector<1x1xi32>
      %eq3A_428 = vector.broadcast %shift_right_logical3A_427 : vector<1x1xi32> to vector<1x256xi32>
      %eq3A_429 = arith.cmpi eq, %iota3A_80, %eq3A_428 : vector<1x256xi32>
      %and3A_430 = arith.constant 127 : i32
      %and3A_431 = vector.broadcast %and3A_430 : i32 to vector<1x1xi32>
      %and3A_432 = arith.andi %broadcast_in_dim3A_424, %and3A_431 : vector<1x1xi32>
      %eq3A_433 = vector.broadcast %and3A_432 : vector<1x1xi32> to vector<128x1xi32>
      %eq3A_434 = arith.cmpi eq, %iota3A_79, %eq3A_433 : vector<128x1xi32>
      %jit3A_435 = arith.constant 0.000000e+00 : f32
      %broadcast_in_dim3A_436 = vector.broadcast %jit3A_435 : f32 to vector<1x1xf32>
      %select_n3A_437 = arith.select %lt3A_408, %broadcast_in_dim3A_414, %broadcast_in_dim3A_436 : vector<1x1xf32>
      %add3A_438 = arith.addf %add3A_379, %select_n3A_437 : vector<1x1xf32>
      %jit3A_439 = arith.constant 0.000000e+00 : f32
      %broadcast_in_dim3A_440 = vector.broadcast %jit3A_439 : f32 to vector<1x256xf32>
      %select_n3A_441 = arith.select %eq3A_429, %add3A_72, %broadcast_in_dim3A_440 : vector<1x256xi1>, vector<1x256xf32>
      %reduce_sum3A_442 = arith.constant dense<0.000000e+00> : vector<1xf32>
      %reduce_sum3A_443 = vector.multi_reduction <add>, %select_n3A_441, %reduce_sum3A_442 [1] : vector<1x256xf32> to vector<1xf32>
      %broadcast_in_dim3A_444 = vector.shape_cast %reduce_sum3A_443 : vector<1xf32> to vector<1x1xf32>
      %jit3A_445 = arith.constant 0.000000e+00 : f32
      %broadcast_in_dim3A_446 = vector.broadcast %jit3A_445 : f32 to vector<1x1xf32>
      %select_n3A_447 = arith.select %lt3A_408, %broadcast_in_dim3A_444, %broadcast_in_dim3A_446 : vector<1x1xf32>
      %add3A_448 = arith.addf %add3A_389, %select_n3A_447 : vector<1x1xf32>
      %and3A_449 = vector.broadcast %lt3A_408 : i1 to vector<1x256xi1>
      %and3A_450 = arith.andi %and3A_449, %eq3A_429 : vector<1x256xi1>
      %jit3A_451 = arith.constant 1.000000e+00 : f32
      %jit3A_452 = arith.constant 0.000000e+00 : f32
      %broadcast_in_dim3A_453 = vector.broadcast %jit3A_451 : f32 to vector<1x256xf32>
      %broadcast_in_dim3A_454 = vector.broadcast %jit3A_452 : f32 to vector<1x256xf32>
      %select_n3A_455 = arith.select %and3A_450, %broadcast_in_dim3A_453, %broadcast_in_dim3A_454 : vector<1x256xi1>, vector<1x256xf32>
      %add3A_456 = arith.addf %add3A_397, %select_n3A_455 : vector<1x256xf32>
      %or3A_457 = vector.broadcast %eq3A_429 : vector<1x256xi1> to vector<128x256xi1>
      %or3A_458 = vector.broadcast %eq3A_434 : vector<128x1xi1> to vector<128x256xi1>
      %or3A_459 = arith.ori %or3A_457, %or3A_458 : vector<128x256xi1>
      %and3A_460 = vector.broadcast %lt3A_408 : i1 to vector<128x256xi1>
      %and3A_461 = arith.andi %or3A_459, %and3A_460 : vector<128x256xi1>
      %jit3A_462 = arith.constant 0x7F800000 : f32
      %broadcast_in_dim3A_463 = vector.broadcast %jit3A_462 : f32 to vector<128x256xf32>
      %select_n3A_464 = arith.select %and3A_461, %broadcast_in_dim3A_463, %select_n3A_405 : vector<128x256xi1>, vector<128x256xf32>
      %scan3A_465 = arith.constant 5 : i32
      %scan3A_466 = arith.addi %scan3A_171, %scan3A_465 : i32
      %lt3A_467 = arith.cmpi slt, %scan3A_466, %add3A_78 : i32
      %reduce_min3A_468 = arith.constant dense<0x7F800000> : vector<256xf32>
      %reduce_min3A_469 = vector.multi_reduction <minimumf>, %select_n3A_464, %reduce_min3A_468 [0] : vector<128x256xf32> to vector<256xf32>
      %broadcast_in_dim3A_470 = vector.shape_cast %reduce_min3A_469 : vector<256xf32> to vector<1x256xf32>
      %reduce_min3A_471 = arith.constant dense<0x7F800000> : vector<1xf32>
      %reduce_min3A_472 = vector.multi_reduction <minimumf>, %broadcast_in_dim3A_470, %reduce_min3A_471 [1] : vector<1x256xf32> to vector<1xf32>
      %broadcast_in_dim3A_473 = vector.shape_cast %reduce_min3A_472 : vector<1xf32> to vector<1x1xf32>
      %eq3A_474 = vector.broadcast %broadcast_in_dim3A_473 : vector<1x1xf32> to vector<128x256xf32>
      %eq3A_475 = arith.cmpf oeq, %select_n3A_464, %eq3A_474 : vector<128x256xf32>
      %broadcast_in_dim3A_476 = vector.broadcast %scan3A : i32 to vector<128x256xi32>
      %select_n3A_477 = arith.select %eq3A_475, %add3A_86, %broadcast_in_dim3A_476 : vector<128x256xi1>, vector<128x256xi32>
      %reduce_min3A_478 = arith.constant dense<2147483647> : vector<256xi32>
      %reduce_min3A_479 = vector.multi_reduction <minsi>, %select_n3A_477, %reduce_min3A_478 [0] : vector<128x256xi32> to vector<256xi32>
      %broadcast_in_dim3A_480 = vector.shape_cast %reduce_min3A_479 : vector<256xi32> to vector<1x256xi32>
      %reduce_min3A_481 = arith.constant dense<2147483647> : vector<1xi32>
      %reduce_min3A_482 = vector.multi_reduction <minsi>, %broadcast_in_dim3A_480, %reduce_min3A_481 [1] : vector<1x256xi32> to vector<1xi32>
      %broadcast_in_dim3A_483 = vector.shape_cast %reduce_min3A_482 : vector<1xi32> to vector<1x1xi32>
      %shift_right_logical3A_484 = arith.constant 7 : i32
      %shift_right_logical3A_485 = vector.broadcast %shift_right_logical3A_484 : i32 to vector<1x1xi32>
      %shift_right_logical3A_486 = arith.shrui %broadcast_in_dim3A_483, %shift_right_logical3A_485 : vector<1x1xi32>
      %eq3A_487 = vector.broadcast %shift_right_logical3A_486 : vector<1x1xi32> to vector<1x256xi32>
      %eq3A_488 = arith.cmpi eq, %iota3A_80, %eq3A_487 : vector<1x256xi32>
      %and3A_489 = arith.constant 127 : i32
      %and3A_490 = vector.broadcast %and3A_489 : i32 to vector<1x1xi32>
      %and3A_491 = arith.andi %broadcast_in_dim3A_483, %and3A_490 : vector<1x1xi32>
      %eq3A_492 = vector.broadcast %and3A_491 : vector<1x1xi32> to vector<128x1xi32>
      %eq3A_493 = arith.cmpi eq, %iota3A_79, %eq3A_492 : vector<128x1xi32>
      %jit3A_494 = arith.constant 0.000000e+00 : f32
      %broadcast_in_dim3A_495 = vector.broadcast %jit3A_494 : f32 to vector<1x1xf32>
      %select_n3A_496 = arith.select %lt3A_467, %broadcast_in_dim3A_473, %broadcast_in_dim3A_495 : vector<1x1xf32>
      %add3A_497 = arith.addf %add3A_438, %select_n3A_496 : vector<1x1xf32>
      %jit3A_498 = arith.constant 0.000000e+00 : f32
      %broadcast_in_dim3A_499 = vector.broadcast %jit3A_498 : f32 to vector<1x256xf32>
      %select_n3A_500 = arith.select %eq3A_488, %add3A_72, %broadcast_in_dim3A_499 : vector<1x256xi1>, vector<1x256xf32>
      %reduce_sum3A_501 = arith.constant dense<0.000000e+00> : vector<1xf32>
      %reduce_sum3A_502 = vector.multi_reduction <add>, %select_n3A_500, %reduce_sum3A_501 [1] : vector<1x256xf32> to vector<1xf32>
      %broadcast_in_dim3A_503 = vector.shape_cast %reduce_sum3A_502 : vector<1xf32> to vector<1x1xf32>
      %jit3A_504 = arith.constant 0.000000e+00 : f32
      %broadcast_in_dim3A_505 = vector.broadcast %jit3A_504 : f32 to vector<1x1xf32>
      %select_n3A_506 = arith.select %lt3A_467, %broadcast_in_dim3A_503, %broadcast_in_dim3A_505 : vector<1x1xf32>
      %add3A_507 = arith.addf %add3A_448, %select_n3A_506 : vector<1x1xf32>
      %and3A_508 = vector.broadcast %lt3A_467 : i1 to vector<1x256xi1>
      %and3A_509 = arith.andi %and3A_508, %eq3A_488 : vector<1x256xi1>
      %jit3A_510 = arith.constant 1.000000e+00 : f32
      %jit3A_511 = arith.constant 0.000000e+00 : f32
      %broadcast_in_dim3A_512 = vector.broadcast %jit3A_510 : f32 to vector<1x256xf32>
      %broadcast_in_dim3A_513 = vector.broadcast %jit3A_511 : f32 to vector<1x256xf32>
      %select_n3A_514 = arith.select %and3A_509, %broadcast_in_dim3A_512, %broadcast_in_dim3A_513 : vector<1x256xi1>, vector<1x256xf32>
      %add3A_515 = arith.addf %add3A_456, %select_n3A_514 : vector<1x256xf32>
      %or3A_516 = vector.broadcast %eq3A_488 : vector<1x256xi1> to vector<128x256xi1>
      %or3A_517 = vector.broadcast %eq3A_493 : vector<128x1xi1> to vector<128x256xi1>
      %or3A_518 = arith.ori %or3A_516, %or3A_517 : vector<128x256xi1>
      %and3A_519 = vector.broadcast %lt3A_467 : i1 to vector<128x256xi1>
      %and3A_520 = arith.andi %or3A_518, %and3A_519 : vector<128x256xi1>
      %jit3A_521 = arith.constant 0x7F800000 : f32
      %broadcast_in_dim3A_522 = vector.broadcast %jit3A_521 : f32 to vector<128x256xf32>
      %select_n3A_523 = arith.select %and3A_520, %broadcast_in_dim3A_522, %select_n3A_464 : vector<128x256xi1>, vector<128x256xf32>
      %scan3A_524 = arith.constant 6 : i32
      %scan3A_525 = arith.addi %scan3A_171, %scan3A_524 : i32
      %lt3A_526 = arith.cmpi slt, %scan3A_525, %add3A_78 : i32
      %reduce_min3A_527 = arith.constant dense<0x7F800000> : vector<256xf32>
      %reduce_min3A_528 = vector.multi_reduction <minimumf>, %select_n3A_523, %reduce_min3A_527 [0] : vector<128x256xf32> to vector<256xf32>
      %broadcast_in_dim3A_529 = vector.shape_cast %reduce_min3A_528 : vector<256xf32> to vector<1x256xf32>
      %reduce_min3A_530 = arith.constant dense<0x7F800000> : vector<1xf32>
      %reduce_min3A_531 = vector.multi_reduction <minimumf>, %broadcast_in_dim3A_529, %reduce_min3A_530 [1] : vector<1x256xf32> to vector<1xf32>
      %broadcast_in_dim3A_532 = vector.shape_cast %reduce_min3A_531 : vector<1xf32> to vector<1x1xf32>
      %eq3A_533 = vector.broadcast %broadcast_in_dim3A_532 : vector<1x1xf32> to vector<128x256xf32>
      %eq3A_534 = arith.cmpf oeq, %select_n3A_523, %eq3A_533 : vector<128x256xf32>
      %broadcast_in_dim3A_535 = vector.broadcast %scan3A : i32 to vector<128x256xi32>
      %select_n3A_536 = arith.select %eq3A_534, %add3A_86, %broadcast_in_dim3A_535 : vector<128x256xi1>, vector<128x256xi32>
      %reduce_min3A_537 = arith.constant dense<2147483647> : vector<256xi32>
      %reduce_min3A_538 = vector.multi_reduction <minsi>, %select_n3A_536, %reduce_min3A_537 [0] : vector<128x256xi32> to vector<256xi32>
      %broadcast_in_dim3A_539 = vector.shape_cast %reduce_min3A_538 : vector<256xi32> to vector<1x256xi32>
      %reduce_min3A_540 = arith.constant dense<2147483647> : vector<1xi32>
      %reduce_min3A_541 = vector.multi_reduction <minsi>, %broadcast_in_dim3A_539, %reduce_min3A_540 [1] : vector<1x256xi32> to vector<1xi32>
      %broadcast_in_dim3A_542 = vector.shape_cast %reduce_min3A_541 : vector<1xi32> to vector<1x1xi32>
      %shift_right_logical3A_543 = arith.constant 7 : i32
      %shift_right_logical3A_544 = vector.broadcast %shift_right_logical3A_543 : i32 to vector<1x1xi32>
      %shift_right_logical3A_545 = arith.shrui %broadcast_in_dim3A_542, %shift_right_logical3A_544 : vector<1x1xi32>
      %eq3A_546 = vector.broadcast %shift_right_logical3A_545 : vector<1x1xi32> to vector<1x256xi32>
      %eq3A_547 = arith.cmpi eq, %iota3A_80, %eq3A_546 : vector<1x256xi32>
      %and3A_548 = arith.constant 127 : i32
      %and3A_549 = vector.broadcast %and3A_548 : i32 to vector<1x1xi32>
      %and3A_550 = arith.andi %broadcast_in_dim3A_542, %and3A_549 : vector<1x1xi32>
      %eq3A_551 = vector.broadcast %and3A_550 : vector<1x1xi32> to vector<128x1xi32>
      %eq3A_552 = arith.cmpi eq, %iota3A_79, %eq3A_551 : vector<128x1xi32>
      %jit3A_553 = arith.constant 0.000000e+00 : f32
      %broadcast_in_dim3A_554 = vector.broadcast %jit3A_553 : f32 to vector<1x1xf32>
      %select_n3A_555 = arith.select %lt3A_526, %broadcast_in_dim3A_532, %broadcast_in_dim3A_554 : vector<1x1xf32>
      %add3A_556 = arith.addf %add3A_497, %select_n3A_555 : vector<1x1xf32>
      %jit3A_557 = arith.constant 0.000000e+00 : f32
      %broadcast_in_dim3A_558 = vector.broadcast %jit3A_557 : f32 to vector<1x256xf32>
      %select_n3A_559 = arith.select %eq3A_547, %add3A_72, %broadcast_in_dim3A_558 : vector<1x256xi1>, vector<1x256xf32>
      %reduce_sum3A_560 = arith.constant dense<0.000000e+00> : vector<1xf32>
      %reduce_sum3A_561 = vector.multi_reduction <add>, %select_n3A_559, %reduce_sum3A_560 [1] : vector<1x256xf32> to vector<1xf32>
      %broadcast_in_dim3A_562 = vector.shape_cast %reduce_sum3A_561 : vector<1xf32> to vector<1x1xf32>
      %jit3A_563 = arith.constant 0.000000e+00 : f32
      %broadcast_in_dim3A_564 = vector.broadcast %jit3A_563 : f32 to vector<1x1xf32>
      %select_n3A_565 = arith.select %lt3A_526, %broadcast_in_dim3A_562, %broadcast_in_dim3A_564 : vector<1x1xf32>
      %add3A_566 = arith.addf %add3A_507, %select_n3A_565 : vector<1x1xf32>
      %and3A_567 = vector.broadcast %lt3A_526 : i1 to vector<1x256xi1>
      %and3A_568 = arith.andi %and3A_567, %eq3A_547 : vector<1x256xi1>
      %jit3A_569 = arith.constant 1.000000e+00 : f32
      %jit3A_570 = arith.constant 0.000000e+00 : f32
      %broadcast_in_dim3A_571 = vector.broadcast %jit3A_569 : f32 to vector<1x256xf32>
      %broadcast_in_dim3A_572 = vector.broadcast %jit3A_570 : f32 to vector<1x256xf32>
      %select_n3A_573 = arith.select %and3A_568, %broadcast_in_dim3A_571, %broadcast_in_dim3A_572 : vector<1x256xi1>, vector<1x256xf32>
      %add3A_574 = arith.addf %add3A_515, %select_n3A_573 : vector<1x256xf32>
      %or3A_575 = vector.broadcast %eq3A_547 : vector<1x256xi1> to vector<128x256xi1>
      %or3A_576 = vector.broadcast %eq3A_552 : vector<128x1xi1> to vector<128x256xi1>
      %or3A_577 = arith.ori %or3A_575, %or3A_576 : vector<128x256xi1>
      %and3A_578 = vector.broadcast %lt3A_526 : i1 to vector<128x256xi1>
      %and3A_579 = arith.andi %or3A_577, %and3A_578 : vector<128x256xi1>
      %jit3A_580 = arith.constant 0x7F800000 : f32
      %broadcast_in_dim3A_581 = vector.broadcast %jit3A_580 : f32 to vector<128x256xf32>
      %select_n3A_582 = arith.select %and3A_579, %broadcast_in_dim3A_581, %select_n3A_523 : vector<128x256xi1>, vector<128x256xf32>
      %scan3A_583 = arith.constant 7 : i32
      %scan3A_584 = arith.addi %scan3A_171, %scan3A_583 : i32
      %lt3A_585 = arith.cmpi slt, %scan3A_584, %add3A_78 : i32
      %reduce_min3A_586 = arith.constant dense<0x7F800000> : vector<256xf32>
      %reduce_min3A_587 = vector.multi_reduction <minimumf>, %select_n3A_582, %reduce_min3A_586 [0] : vector<128x256xf32> to vector<256xf32>
      %broadcast_in_dim3A_588 = vector.shape_cast %reduce_min3A_587 : vector<256xf32> to vector<1x256xf32>
      %reduce_min3A_589 = arith.constant dense<0x7F800000> : vector<1xf32>
      %reduce_min3A_590 = vector.multi_reduction <minimumf>, %broadcast_in_dim3A_588, %reduce_min3A_589 [1] : vector<1x256xf32> to vector<1xf32>
      %broadcast_in_dim3A_591 = vector.shape_cast %reduce_min3A_590 : vector<1xf32> to vector<1x1xf32>
      %eq3A_592 = vector.broadcast %broadcast_in_dim3A_591 : vector<1x1xf32> to vector<128x256xf32>
      %eq3A_593 = arith.cmpf oeq, %select_n3A_582, %eq3A_592 : vector<128x256xf32>
      %broadcast_in_dim3A_594 = vector.broadcast %scan3A : i32 to vector<128x256xi32>
      %select_n3A_595 = arith.select %eq3A_593, %add3A_86, %broadcast_in_dim3A_594 : vector<128x256xi1>, vector<128x256xi32>
      %reduce_min3A_596 = arith.constant dense<2147483647> : vector<256xi32>
      %reduce_min3A_597 = vector.multi_reduction <minsi>, %select_n3A_595, %reduce_min3A_596 [0] : vector<128x256xi32> to vector<256xi32>
      %broadcast_in_dim3A_598 = vector.shape_cast %reduce_min3A_597 : vector<256xi32> to vector<1x256xi32>
      %reduce_min3A_599 = arith.constant dense<2147483647> : vector<1xi32>
      %reduce_min3A_600 = vector.multi_reduction <minsi>, %broadcast_in_dim3A_598, %reduce_min3A_599 [1] : vector<1x256xi32> to vector<1xi32>
      %broadcast_in_dim3A_601 = vector.shape_cast %reduce_min3A_600 : vector<1xi32> to vector<1x1xi32>
      %shift_right_logical3A_602 = arith.constant 7 : i32
      %shift_right_logical3A_603 = vector.broadcast %shift_right_logical3A_602 : i32 to vector<1x1xi32>
      %shift_right_logical3A_604 = arith.shrui %broadcast_in_dim3A_601, %shift_right_logical3A_603 : vector<1x1xi32>
      %eq3A_605 = vector.broadcast %shift_right_logical3A_604 : vector<1x1xi32> to vector<1x256xi32>
      %eq3A_606 = arith.cmpi eq, %iota3A_80, %eq3A_605 : vector<1x256xi32>
      %and3A_607 = arith.constant 127 : i32
      %and3A_608 = vector.broadcast %and3A_607 : i32 to vector<1x1xi32>
      %and3A_609 = arith.andi %broadcast_in_dim3A_601, %and3A_608 : vector<1x1xi32>
      %eq3A_610 = vector.broadcast %and3A_609 : vector<1x1xi32> to vector<128x1xi32>
      %eq3A_611 = arith.cmpi eq, %iota3A_79, %eq3A_610 : vector<128x1xi32>
      %jit3A_612 = arith.constant 0.000000e+00 : f32
      %broadcast_in_dim3A_613 = vector.broadcast %jit3A_612 : f32 to vector<1x1xf32>
      %select_n3A_614 = arith.select %lt3A_585, %broadcast_in_dim3A_591, %broadcast_in_dim3A_613 : vector<1x1xf32>
      %add3A_615 = arith.addf %add3A_556, %select_n3A_614 : vector<1x1xf32>
      %jit3A_616 = arith.constant 0.000000e+00 : f32
      %broadcast_in_dim3A_617 = vector.broadcast %jit3A_616 : f32 to vector<1x256xf32>
      %select_n3A_618 = arith.select %eq3A_606, %add3A_72, %broadcast_in_dim3A_617 : vector<1x256xi1>, vector<1x256xf32>
      %reduce_sum3A_619 = arith.constant dense<0.000000e+00> : vector<1xf32>
      %reduce_sum3A_620 = vector.multi_reduction <add>, %select_n3A_618, %reduce_sum3A_619 [1] : vector<1x256xf32> to vector<1xf32>
      %broadcast_in_dim3A_621 = vector.shape_cast %reduce_sum3A_620 : vector<1xf32> to vector<1x1xf32>
      %jit3A_622 = arith.constant 0.000000e+00 : f32
      %broadcast_in_dim3A_623 = vector.broadcast %jit3A_622 : f32 to vector<1x1xf32>
      %select_n3A_624 = arith.select %lt3A_585, %broadcast_in_dim3A_621, %broadcast_in_dim3A_623 : vector<1x1xf32>
      %add3A_625 = arith.addf %add3A_566, %select_n3A_624 : vector<1x1xf32>
      %and3A_626 = vector.broadcast %lt3A_585 : i1 to vector<1x256xi1>
      %and3A_627 = arith.andi %and3A_626, %eq3A_606 : vector<1x256xi1>
      %jit3A_628 = arith.constant 1.000000e+00 : f32
      %jit3A_629 = arith.constant 0.000000e+00 : f32
      %broadcast_in_dim3A_630 = vector.broadcast %jit3A_628 : f32 to vector<1x256xf32>
      %broadcast_in_dim3A_631 = vector.broadcast %jit3A_629 : f32 to vector<1x256xf32>
      %select_n3A_632 = arith.select %and3A_627, %broadcast_in_dim3A_630, %broadcast_in_dim3A_631 : vector<1x256xi1>, vector<1x256xf32>
      %add3A_633 = arith.addf %add3A_574, %select_n3A_632 : vector<1x256xf32>
      %or3A_634 = vector.broadcast %eq3A_606 : vector<1x256xi1> to vector<128x256xi1>
      %or3A_635 = vector.broadcast %eq3A_611 : vector<128x1xi1> to vector<128x256xi1>
      %or3A_636 = arith.ori %or3A_634, %or3A_635 : vector<128x256xi1>
      %and3A_637 = vector.broadcast %lt3A_585 : i1 to vector<128x256xi1>
      %and3A_638 = arith.andi %or3A_636, %and3A_637 : vector<128x256xi1>
      %jit3A_639 = arith.constant 0x7F800000 : f32
      %broadcast_in_dim3A_640 = vector.broadcast %jit3A_639 : f32 to vector<128x256xf32>
      %select_n3A_641 = arith.select %and3A_638, %broadcast_in_dim3A_640, %select_n3A_582 : vector<128x256xi1>, vector<128x256xf32>
      scf.yield %select_n3A_641, %add3A_615, %add3A_625, %add3A_633 : vector<128x256xf32>, vector<1x1xf32>, vector<1x1xf32>, vector<1x256xf32>
    }
    %scan3A_104 = arith.constant 128 : i32
    %squeeze3A = vector.extract %scan3A_103#1[0, 0] : f32 from vector<1x1xf32>
    %squeeze3A_105 = vector.extract %scan3A_103#2[0, 0] : f32 from vector<1x1xf32>
    %convert_element_type3A_106 = arith.sitofp %add3A_78 : i32 to f32
    %mul3A_107 = arith.constant 1.024000e+03 : f32
    %mul3A_108 = arith.mulf %convert_element_type3A_106, %mul3A_107 : f32
    %div3A = arith.divf %squeeze3A, %mul3A_108 : f32
    %div3A_109 = arith.divf %squeeze3A_105, %convert_element_type3A_106 : f32
    %add3A_110 = arith.addf %div3A, %div3A_109 : f32
    %min3A_111 = arith.constant 1.000000e+00 : f32
    %min3A_112 = vector.broadcast %min3A_111 : f32 to vector<1x256xf32>
    %min3A_113 = arith.minimumf %sub3A_71, %min3A_112 : vector<1x256xf32>
    %jit3A_114 = arith.constant 1.000000e-07 : f32
    %jit3A_115 = arith.constant 0.99999988 : f32
    %max3A_116 = vector.broadcast %jit3A_114 : f32 to vector<1x256xf32>
    %max3A_117 = arith.maximumf %max3A_116, %min3A_113 : vector<1x256xf32>
    %min3A_118 = vector.broadcast %jit3A_115 : f32 to vector<1x256xf32>
    %min3A_119 = arith.minimumf %min3A_118, %max3A_117 : vector<1x256xf32>
    %min3A_120 = arith.constant 1.000000e+00 : f32
    %min3A_121 = vector.broadcast %min3A_120 : f32 to vector<1x256xf32>
    %min3A_122 = arith.minimumf %dot_general3A_64, %min3A_121 : vector<1x256xf32>
    %jit3A_123 = arith.constant 1.000000e-07 : f32
    %jit3A_124 = arith.constant 0.99999988 : f32
    %max3A_125 = vector.broadcast %jit3A_123 : f32 to vector<1x256xf32>
    %max3A_126 = arith.maximumf %max3A_125, %min3A_122 : vector<1x256xf32>
    %min3A_127 = vector.broadcast %jit3A_124 : f32 to vector<1x256xf32>
    %min3A_128 = arith.minimumf %min3A_127, %max3A_126 : vector<1x256xf32>
    %neg3A_129 = arith.constant 0.000000e+00 : f32
    %neg3A_130 = vector.broadcast %neg3A_129 : f32 to vector<1x256xf32>
    %neg3A_131 = arith.subf %neg3A_130, %broadcast_in_dim3A_42 : vector<1x256xf32>
    %sub3A_132 = arith.constant 1.000000e+00 : f32
    %sub3A_133 = vector.broadcast %sub3A_132 : f32 to vector<1x256xf32>
    %sub3A_134 = arith.subf %sub3A_133, %min3A_119 : vector<1x256xf32>
    %log3A_135 = math.log %sub3A_134 : vector<1x256xf32>
    %sub3A_136 = arith.subf %neg3A_131, %log3A_135 : vector<1x256xf32>
    %log3A_137 = math.log %min3A_128 : vector<1x256xf32>
    %sub3A_138 = arith.subf %sub3A_136, %log3A_137 : vector<1x256xf32>
    %sub3A_139 = arith.constant 2.560000e+02 : f32
    %sub3A_140 = arith.subf %sub3A_139, %convert_element_type3A_106 : f32
    %sub3A_141 = arith.constant 1.000000e+00 : f32
    %sub3A_142 = vector.broadcast %sub3A_141 : f32 to vector<1x256xf32>
    %sub3A_143 = arith.subf %sub3A_142, %scan3A_103#3 : vector<1x256xf32>
    %mul3A_144 = arith.mulf %sub3A_143, %sub3A_138 : vector<1x256xf32>
    %reduce_sum3A_145 = vector.shape_cast %mul3A_144 : vector<1x256xf32> to vector<1x1x256xf32>
    %reduce_sum3A_146 = arith.constant dense<0.000000e+00> : vector<1xf32>
    %reduce_sum3A_147 = vector.multi_reduction <add>, %reduce_sum3A_145, %reduce_sum3A_146 [1, 2] : vector<1x1x256xf32> to vector<1xf32>
    %reduce_sum3A_148 = vector.shape_cast %reduce_sum3A_147 : vector<1xf32> to vector<1x1x1xf32>
    %reduce_sum3A_149 = vector.extract %reduce_sum3A_148[0, 0, 0] : f32 from vector<1x1x1xf32>
    %mul3A_150 = arith.constant 1.026000e+03 : f32
    %mul3A_151 = arith.mulf %sub3A_140, %mul3A_150 : f32
    %div3A_152 = arith.divf %reduce_sum3A_149, %mul3A_151 : f32
    %get3A_153 = arith.constant 0 : index
    %get3A_154 = arith.constant 0 : index
    %get3A_155 = vector.load %arg3[%get3A_153, %get3A_154] : memref<1x1xf32, #tpu.memory_space<vmem>>, vector<1x1xf32>
    %get3A_156 = vector.extract %get3A_155[0, 0] : f32 from vector<1x1xf32>
    %mul3A_157 = arith.constant 5.000000e+00 : f32
    %mul3A_158 = arith.mulf %mul3A_157, %add3A_110 : f32
    %mul3A_159 = arith.constant 5.000000e+00 : f32
    %mul3A_160 = arith.mulf %mul3A_159, %div3A_152 : f32
    %add3A_161 = arith.addf %mul3A_158, %mul3A_160 : f32
    %add3A_162 = arith.addf %add3A_161, %get3A_156 : f32
    %swap3A = arith.constant 0 : index
    %swap3A_163 = arith.constant 0 : index
    %swap3A_164 = memref.load %arg4[%swap3A, %swap3A_163] : memref<1x1xf32, #tpu.memory_space<smem>>
    memref.store %add3A_162, %arg4[%swap3A, %swap3A_163] : memref<1x1xf32, #tpu.memory_space<smem>>
    %swap3A_165 = arith.constant 0 : index
    %swap3A_166 = arith.constant 0 : index
    %swap3A_167 = memref.load %arg5[%swap3A_165, %swap3A_166] : memref<1x1xf32, #tpu.memory_space<smem>>
    memref.store %add3A_110, %arg5[%swap3A_165, %swap3A_166] : memref<1x1xf32, #tpu.memory_space<smem>>
    %swap3A_168 = arith.constant 0 : index
    %swap3A_169 = arith.constant 0 : index
    %swap3A_170 = memref.load %arg6[%swap3A_168, %swap3A_169] : memref<1x1xf32, #tpu.memory_space<smem>>
    memref.store %div3A_152, %arg6[%swap3A_168, %swap3A_169] : memref<1x1xf32, #tpu.memory_space<smem>>
    return
  }
}

</mosaic_0001>

<sc_bundles>
// kernel: kernel.4.cloned.1.call-start
scs
__scs_entry_jumppad:
0x0: {  	(pc) =	sbr.rel $0x88, $3  }
0x1: {  	(tag) =	ssettag $0x0;
	lr =	simm.s32 $0x1  }
0x2: {  	[smem:$0x3F9C] =	sst lr;
	_ =	strace $0xD0000000  }
0x3: {  	_ = 	snop  }
0x4: {  	_ = 	snop  }
0x5: {  	_ = 	snop  }
0x6: {  	_ = 	snop  }
0x7: {  	_ = 	snop  }
__scs_overlays_trampoline_lowered:
0x8: {  	[smem:$0x3FAB] =	sst s0  }
0x9: {  	[smem:$0x3FAC] =	sst s1  }
0xa: {  	[smem:$0x3FAD] =	sst s2  }
0xb: {  	[smem:$0x3FAE] =	sst s3  }
0xc: {  	[smem:$0x3FAF] =	sst s4  }
0xd: {  	[smem:$0x3FB0] =	sst s5  }
0xe: {  	[smem:$0x3FB1] =	sst s6  }
0xf: {  	[smem:$0x3FB2] =	sst s7  }
0x10: {  	[smem:$0x3FB3] =	sst s8  }
0x11: {  	[smem:$0x3FB4] =	sst s9;
	s0 =	simm.s32 @!p0 $0x0  }
0x12: {  	s1 =	sld [smem:$0x3F9A];
	s0 =	simm.s32 @p0 $0x1  }
0x13: {  	[smem:$0x3FB5] =	sst s0;
	s0 =	simm.s32 @!p1 $0x0  }
0x14: {  	s2 =	sld [smem:$0x3F99];
	s0 =	simm.s32 @p1 $0x1  }
0x15: {  	[smem:$0x3FB6] =	sst s0;
	s0 =	simm.s32 @!p2 $0x0  }
0x16: {  	s3 =	sld [smem:$0x3FDB];
	s0 =	simm.s32 @p2 $0x1  }
0x17: {  	s4 =	simm.s32 $0x1BF5;
	[smem:$0x3FB8] =	sst s0  }
0x18: {  	s0 =	sld [smem:$0x3F9B];
	_ =	swait.ge [sflag:s4], $0x0  }
0x19: {  	s7 =	sld [smem:$0x3F9C]  }
0x1a: {  	s8 =	sadd.s32 $0xFFFFE003, lr  }
0x1b: {  	s9 =	sadd.s32 $0xFFFFFEF7, lr;
	s5 =	simm.s32 $0xFFFFFFFF;
	p2 =	slt.u32 s8, $0xFFFFF086  }
0x1c: {  	p1 =	slt.u32 s9, $0xF7A;
	s5 =	simm.s32 @!p2 $0x0  }
0x1d: {  	s5 =	simm.s32 @p1 $0x1;
	p0 =	seq.s32 s7, s2  }
0x1e: {  	s7 =	smul.u32 @!p0 $0xF7A, s2;
	p2 =	seq.s32 @!p0 s5, $0x0  }
0x1f: {  	s9 =	smul.u32 $0xF7A, s1;
	s8 =	simm.s32 @!p0 $0x1BF5;
	p2 =	por !p2, p0  }
0x20: {  	[sflag:s8] =	ssyncset.s32 @!p0 $0xFFFFF086;
	s6 =	sadd.s32 @!p0 s3, s7;
	s7 =	simm.s32 @!p0 $0x108  }
0x21: {  	s3 =	sadd.s32 s3, s9;
	s6 =	sadd.s32 @!p0 $0x88, s6;
	s7 =	simm.s32 @p2 $0x1082  }
0x22: {  	[simem:s7], [sflag:s8] =	dma.local @!p0 [hbm:s6], $0xF7A  }
0x23: {  	s9 =	sor.u32 $0xD0000000, s2;
	s6 =	simm.s32 $0x108;
	_ =	swait.ge @!p0 [sflag:s8], $0x0  }
0x24: {  	s3 =	sadd.s32 $0x88, s3;
	s6 =	simm.s32 @!p1 $0x1082;
	[sflag:s4] =	ssyncset.s32 $0xFFFFF086  }
0x25: {  	[simem:s6], [sflag:s4] =	dma.local [hbm:s3], $0xF7A  }
0x26: {  	[smem:$0x3F9C] =	sst s1;
	(tag) =	ssettag s2;
	_ =	strace s9  }
0x27: {  	s1 =	sld [smem:$0x3FAC]  }
0x28: {  	s2 =	sld [smem:$0x3FAD]  }
0x29: {  	s4 =	sld [smem:$0x3FAF]  }
0x2a: {  	p0 =	seq.s32 s5, $0x0;
	s5 =	sld [smem:$0x3FB0]  }
0x2b: {  	s6 =	sld [smem:$0x3FB1]  }
0x2c: {  	s7 =	sld [smem:$0x3FB2]  }
0x2d: {  	s3 =	simm.s32 $0x108;
	s8 =	sld [smem:$0x3FB3]  }
0x2e: {  	s3 =	simm.s32 @!p0 $0x1082;
	s9 =	sld [smem:$0x3FB4]  }
0x2f: {  	lr =	sadd.s32 s0, s3;
	s0 =	sld [smem:$0x3FAB]  }
0x30: {  	s3 =	sld [smem:$0x3FAE]  }
0x31: {  	[smem:$0x3FB7] =	sst s10  }
0x32: {  	s10 =	sld [smem:$0x3FB5];
	_ =	sdelay $0x3  }
0x33: {  	p0 =	seq.s32 s10, $0x1;
	s10 =	sld [smem:$0x3FB7];
	_ =	sdelay $0x3  }
0x34: {  	[smem:$0x3FB7] =	sst s10  }
0x35: {  	s10 =	sld [smem:$0x3FB6];
	_ =	sdelay $0x3  }
0x36: {  	p1 =	seq.s32 s10, $0x1;
	s10 =	sld [smem:$0x3FB7];
	_ =	sdelay $0x3  }
0x37: {  	[smem:$0x3FB7] =	sst s10  }
0x38: {  	s10 =	sld [smem:$0x3FB8]  }
0x39: {  	_ = 	snop;
	(pc) =	sbr.ind lr, $3  }
0x3a: {  	_ = 	snop  }
0x3b: {  	_ = 	snop  }
0x3c: {  	p2 =	seq.s32 s10, $0x1;
	s10 =	sld [smem:$0x3FB7]  }
0x3d: {  	_ =	shalt  }
0x3e: {  	_ =	shalt  }
0x3f: {  	_ =	shalt  }
0x40: {  	_ =	shalt  }
0x41: {  	_ =	shalt  }
0x42: {  	_ =	shalt  }
0x43: {  	_ =	shalt  }
0x44: {  	_ =	shalt  }
0x45: {  	_ =	shalt  }
0x46: {  	_ =	shalt  }
0x47: {  	_ =	shalt  }
0x48: {  	_ =	shalt  }
0x49: {  	_ =	shalt  }
0x4a: {  	_ =	shalt  }
0x4b: {  	_ =	shalt  }
0x4c: {  	_ =	shalt  }
0x4d: {  	_ =	shalt  }
0x4e: {  	_ =	shalt  }
0x4f: {  	_ =	shalt  }
0x50: {  	_ =	shalt  }
0x51: {  	_ =	shalt  }
0x52: {  	_ =	shalt  }
0x53: {  	_ =	shalt  }
0x54: {  	_ =	shalt  }
0x55: {  	_ =	shalt  }
0x56: {  	_ =	shalt  }
0x57: {  	_ =	shalt  }
0x58: {  	_ =	shalt  }
0x59: {  	_ =	shalt  }
0x5a: {  	_ =	shalt  }
0x5b: {  	_ =	shalt  }
0x5c: {  	_ =	shalt  }
0x5d: {  	_ =	shalt  }
0x5e: {  	_ =	shalt  }
0x5f: {  	_ =	shalt  }
0x60: {  	_ =	shalt  }
0x61: {  	_ =	shalt  }
0x62: {  	_ =	shalt  }
0x63: {  	_ =	shalt  }
0x64: {  	_ =	shalt  }
0x65: {  	_ =	shalt  }
0x66: {  	_ =	shalt  }
0x67: {  	_ =	shalt  }
0x68: {  	_ =	shalt  }
0x69: {  	_ =	shalt  }
0x6a: {  	_ =	shalt  }
0x6b: {  	_ =	shalt  }
0x6c: {  	_ =	shalt  }
0x6d: {  	_ =	shalt  }
0x6e: {  	_ =	shalt  }
0x6f: {  	_ =	shalt  }
0x70: {  	_ =	shalt  }
0x71: {  	_ =	shalt  }
0x72: {  	_ =	shalt  }
0x73: {  	_ =	shalt  }
0x74: {  	_ =	shalt  }
0x75: {  	_ =	shalt  }
0x76: {  	_ =	shalt  }
0x77: {  	_ =	shalt  }
0x78: {  	_ =	shalt  }
0x79: {  	_ =	shalt  }
0x7a: {  	_ =	shalt  }
0x7b: {  	_ =	shalt  }
0x7c: {  	_ =	shalt  }
0x7d: {  	_ =	shalt  }
0x7e: {  	_ =	shalt  }
0x7f: {  	_ =	shalt  }
0x80: {  	_ =	shalt  }
0x81: {  	_ =	shalt  }
0x82: {  	_ =	shalt  }
0x83: {  	_ =	shalt  }
0x84: {  	_ =	shalt  }
0x85: {  	_ =	shalt  }
0x86: {  	_ =	shalt  }
0x87: {  	_ =	shalt  }
.Lfunc_end0:
.L_simem_size_0:
called_computation_lowered:
.L_overlay_start_0:
0x88: {  	s0 =	sld [smem:$0x3FD9]  }
0x89: {  	s1 =	sld [smem:$0x3FFE];
	_ =	sdelay $0x3  }
0x8a: {  	s0 =	sadd.s32 s1, s0  }
0x8b: {  	[smem:$0x3FC3] =	sst s0  }
0x8c: {  	_ = 	snop  }
0x8d: {  	s0 =	sld [smem:$0x3FC8]  }
0x8e: {  	s16 =	sld [smem:$0x3FC7]  }
0x8f: {  	s2 =	sld [smem:$0x3FC6];
	(tm) =	ssettm $0x1  }
0x90: {  	s3 =	sld [smem:$0x3FFB];
	_ =	sdelay $0x3  }
0x91: {  	_ =	strace s3  }
0x92: {  	s3 =	sld [smem:$0x3FFC];
	_ =	sdelay $0x3  }
0x93: {  	_ =	strace s3  }
0x94: {  	s3 =	sld [smem:$0x3FFD];
	_ =	sdelay $0x3  }
0x95: {  	_ =	strace s3  }
0x96: {  	_ =	strace $0x8FFFFFFF  }
0x97: {  	s17 =	sld [smem:$0x3FDB];
	_ =	sdelay $0x1  }
0x98: {  	s4 =	simm.s32 $_scs_section_size  }
0x99: {  	s5 =	simm.s32 $_size__tile_overlayer_lowered;
	s6 =	simm.s32 $_tile_overlayer_lowered  }
0x9a: {  	s20 =	simm.s32 $0x1BFF;
	s19 =	sshll.u32 s6, $0x1;
	s3 =	sadd.s32 s4, s17  }
0x9b: {  	s7 =	simm.s32 $0x0;
	s18 =	sshll.u32 s5, $0x1;
	s5 =	sadd.s32 s19, s3  }
0x9c: {  	[timem:s7], [sflag:s20] =	dma.local [hbm:s5], s18  }
0x9d: {  	_ =	swait.ge [sflag:s20], s18  }
0x9e: {  	s4 =	ssub.s32 $0x0, s18;
	[sflag:s20] =	ssyncset.done $0x0  }
0x9f: {  	[sflag:s20] =	ssyncadd.s32 s4;
	_ =	sdelay $0x1  }
0xa0: {  	s21 =	simm.s32 $0x1B8B  }
0xa1: {  	_ =	swait.ge [sflag:s21], $0x1  }
0xa2: {  	[sflag:s21] =	ssyncset.done $0x0  }
0xa3: {  	s23 =	simm.s32 $0x1B8E;
	s22 =	sld [smem:$0x3FFE];
	[sflag:s21] =	ssyncadd.s32 $0xFFFFFFFF  }
0xa4: {  	s24 =	simm.s32 $execute0_lowered;
	[smem:$0x3FD2] =	sst s23  }
0xa5: {  	s5 =	sshll.u32 s24, $0x1;
	_ =	strace $0x80000046;
	[dreg:$0x1] =	wrdreg $0xFFFFFFFF  }
0xa6: {  	s25 =	simm.s32 $_size_execute0_lowered;
	s3 =	sadd.s32 s3, s5;
	[dreg:$0x0] =	wrdreg $0x0  }
0xa7: {  	s5 =	sshll.u32 s25, $0x1;
	[dreg:$0x2] =	wrdreg s3  }
0xa8: {  	[dreg:$0x3] =	wrdreg s5  }
0xa9: {  	[dreg:$0x4] =	wrdreg $0xC0  }
0xaa: {  	_ =	task [dreg:s7], $0x5FFFF  }
0xab: {  	[dreg:$0x1] =	wrdreg $0xFFFFFFFF  }
0xac: {  	[dreg:$0x0] =	wrdreg $0x60  }
0xad: {  	[dreg:$0x2] =	wrdreg s0  }
0xae: {  	[dreg:$0x3] =	wrdreg s16  }
0xaf: {  	[dreg:$0x4] =	wrdreg s2  }
0xb0: {  	[dreg:$0x5] =	wrdreg s22  }
0xb1: {  	[dreg:$0x6] =	wrdreg $0x9  }
0xb2: {  	_ =	task.clear_ibuf [dreg:s7], $0x7FFFF;
	_ =	strace $0x90000046  }
0xb3: {  	s26 =	simm.s32 $0x9;
	_ =	strace $0x80000048  }
0xb4: {  	_ =	swait.ge [sflag:s26], $0x1  }
0xb5: {  	[sflag:s26] =	ssyncadd.s32 $0xFFFFFFFF  }
0xb6: {  	_ =	strace $0x90000048  }
0xb7: {  	_ =	sfence  }
0xb8: {  	s28 =	sld [smem:$0x0];
	_ =	sdelay $0x1  }
0xb9: {  	s29 =	srdreg.scid  }
0xba: {  	s30 =	sshll.u32 s29, $0xD;
	s31 =	sshrl.u32 s29, $0x2  }
0xbb: {  	s1 =	sand.u32 $0x1, s29;
	s2 =	sand.u32 $0x4000, s30;
	s0 =	sadd.s32 s31, s28  }
0xbc: {  	s1 =	sor.u32 s2, s1;
	s0 =	sshll.u32 s0, $0x11  }
0xbd: {  	s0 =	sor.u32 s0, s1  }
0xbe: {  	s0 =	sadd.s32 $0x8F2B, s0  }
0xbf: {  	[sflag:s0] =	ssyncadd.remote.s32 $0x1  }
0xc0: {  	_ =	sfence.sel $0xFFFF  }
0xc1: {  	[dreg:$0x0] =	wrdreg $0xFFFFFFFF;
	(pc) =	sbr.abs _section_cstart, $3  }
0xc2: {  	[dreg:$0x1] =	wrdreg $0xFFFFFFFF  }
0xc3: {  	_ =	task.clear_ibuf [dreg:s7], $0x2FFFF;
	_ =	strace $0x9FFFFFFF  }
0xc4: {  	(tm) =	ssettm $0x7FFFFFFF  }
0xc5: {  	_ =	shalt  }
tec
execute0_lowered:
.L_overlay_start_1:
0x0: {  	(tag) =	ssettag $0x1  }
0x1: {  	s3 =	rddreg [dreg:$0x0]  }
0x2: {  	s2 =	rddreg [dreg:$0x1]  }
0x3: {  	s4 =	rddreg [dreg:$0x2]  }
0x4: {  	s5 =	rddreg [dreg:$0x3]  }
0x5: {  	s0 =	rddreg [dreg:$0x4];
	s6 =	simm.s32 $0x0  }
0x6: {  	[smem:$0x7FF] =	sst s6  }
0x7: {  	s1 =	stileid.u32;
	s7 =	simm.s32 $0x4000;
	_ =	strace $0x80000047  }
0x8: {  	[tilespmem:s7], [sflag:$0x1] =	stream.linear.gather [hbm4b:s2+s6], $0x400, $0x38;
	[tilespmem:$0x4C00] =	vst v63  }
0x9: {  	s30 =	simm.s32 $0x4400;
	s2 =	sshll.u32 s1, $0x6  }
0xa: {  	[tilespmem:s30], [sflag:$0x1] =	stream.linear.gather [hbm4b:s4+s6], $0x400, $0x38;
	[tilespmem:$0x4C00] =	vst v63  }
0xb: {  	s31 =	simm.s32 $0x4800;
	s3 =	sadd.s32 s3, s2;
	s4 =	simm.s32 $0x40  }
0xc: {  	v0 =	vimm.s32 $0xFFFFFFFF;
	[tilespmem:s31], [sflag:$0x1] =	stream.linear.gather [hbm4b:s3+s6], $0x200, $0x38;
	[tilespmem:$0x4C00] =	vst v63  }
0xd: {  	[tilespmem:s4+$0xFFFFFFC0] =	vst v0  }
0xe: {  	[tilespmem:s4+$0x30] =	vst v0  }
0xf: {  	[tilespmem:s4+$0x20] =	vst v0  }
0x10: {  	[tilespmem:s4+$0x10] =	vst v0  }
0x11: {  	[tilespmem:s4+$0x0] =	vst v0  }
0x12: {  	[tilespmem:s4+$0xFFFFFFF0] =	vst v0  }
0x13: {  	s3 =	sadd.s32 $0xA00, s5;
	s5 =	simm.s32 $0x0;
	[tilespmem:s4+$0xFFFFFFE0] =	vst v0  }
.LBB2_1:
0x14: {  	s5 =	sadd.s32 $0x8, s5;
	[tilespmem:s4+$0xFFFFFFD0] =	vst v0;
	s4 =	sadd.s32 $0x80, s4  }
0x15: {  	[tilespmem:s4+$0xFFFFFFC0] =	vst v0;
	p0 =	slt.u32 s5, $0x3F8  }
0x16: {  	[tilespmem:s4+$0x30] =	vst v0  }
.Ltmp0:
0x17: {  	[tilespmem:s4+$0x20] =	vst v0;
	(pc) =	sbr.rel @p0 .LBB2_1-.Ltmp0, $4  }
0x18: {  	[tilespmem:s4+$0x10] =	vst v0  }
0x19: {  	[tilespmem:s4+$0x0] =	vst v0  }
0x1a: {  	[tilespmem:s4+$0xFFFFFFF0] =	vst v0  }
0x1b: {  	[tilespmem:s4+$0xFFFFFFE0] =	vst v0  }
0x1c: {  	[tilespmem:s4+$0xFFFFFFD0] =	vst v0;
	s31 =	simm.s32 $0x1  }
0x1d: {  	_ =	swait.ge [sflag:s31], $0x400  }
0x1e: {  	[sflag:s31] =	ssyncset.done $0x0  }
0x1f: {  	[sflag:s31] =	ssyncadd.s32 $0xFFFFFC00  }
0x20: {  	_ =	swait.ge [sflag:s31], $0x400  }
0x21: {  	[sflag:s31] =	ssyncset.done $0x0  }
0x22: {  	[sflag:s31] =	ssyncadd.s32 $0xFFFFFC00  }
0x23: {  	_ =	swait.ge [sflag:s31], $0x200  }
0x24: {  	s4 =	simm.s32 $0xFFFFFFFC;
	s5 =	simm.s32 $0x4420;
	[sflag:s31] =	ssyncset.done $0x0  }
0x25: {  	s6 =	simm.s32 $0x4020;
	s7 =	simm.s32 $0x0;
	[sflag:s31] =	ssyncadd.s32 $0xFFFFFE00  }
.LBB2_3:
0x26: {  	v0 =	vld [tilespmem:s6+$0xFFFFFFE0];
	_ =	sdelay $0x2  }
0x27: {  	v1 =	vld [tilespmem:s5+$0xFFFFFFE0];
	_ =	sdelay $0x4  }
0x28: {  	[tilespmem:v0+s7+$0x0] =	vst.idx.msk $0xffff, v1  }
0x29: {  	v0 =	vld [tilespmem:s6+$0xFFFFFFF0];
	_ =	sdelay $0x2  }
0x2a: {  	v1 =	vld [tilespmem:s5+$0xFFFFFFF0];
	_ =	sdelay $0x4  }
0x2b: {  	[tilespmem:v0+s7+$0x0] =	vst.idx.msk $0xffff, v1  }
0x2c: {  	v0 =	vld [tilespmem:s6+$0x0];
	_ =	sdelay $0x2  }
0x2d: {  	v1 =	vld [tilespmem:s5+$0x0];
	_ =	sdelay $0x4  }
0x2e: {  	[tilespmem:v0+s7+$0x0] =	vst.idx.msk $0xffff, v1  }
0x2f: {  	v0 =	vld [tilespmem:s6+$0x10];
	_ =	sdelay $0x1  }
0x30: {  	s4 =	sadd.s32 $0x4, s4  }
0x31: {  	p0 =	slt.u32 s4, $0x3C;
	v1 =	vld [tilespmem:s5+$0x10]  }
.Ltmp1:
0x32: {  	_ = 	snop;
	(pc) =	sbr.rel @p0 .LBB2_3-.Ltmp1, $2  }
0x33: {  	_ =	sdelay $0x2  }
0x34: {  	s5 =	sadd.s32 $0x40, s5;
	s6 =	sadd.s32 $0x40, s6;
	[tilespmem:v0+s7+$0x0] =	vst.idx.msk $0xffff, v1  }
0x35: {  	v0 =	vld [tilespmem:$0x4800];
	_ =	sdelay $0x5  }
0x36: {  	v1 =	vld [tilespmem:$0x4810]  }
0x37: {  	s4 =	simm.s32 $0x0  }
0x38: {  	v0 =	vld.idx.msk [tilespmem:v0+s4+$0x0], $0xffff;
	_ =	sdelay $0x3  }
0x39: {  	v2 =	vld [tilespmem:$0x4820]  }
0x3a: {  	[tilespmem:$0x4A00] =	vst v0  }
0x3b: {  	v0 =	vld.idx.msk [tilespmem:v1+s4+$0x0], $0xffff;
	_ =	sdelay $0x3  }
0x3c: {  	v35 =	vld [tilespmem:$0x4830]  }
0x3d: {  	[tilespmem:$0x4A10] =	vst v0  }
0x3e: {  	v0 =	vld.idx.msk [tilespmem:v2+s4+$0x0], $0xffff;
	_ =	sdelay $0x3  }
0x3f: {  	v36 =	vld [tilespmem:$0x4840]  }
0x40: {  	[tilespmem:$0x4A20] =	vst v0  }
0x41: {  	v0 =	vld.idx.msk [tilespmem:v35+s4+$0x0], $0xffff;
	_ =	sdelay $0x3  }
0x42: {  	v37 =	vld [tilespmem:$0x4850]  }
0x43: {  	[tilespmem:$0x4A30] =	vst v0  }
0x44: {  	v0 =	vld.idx.msk [tilespmem:v36+s4+$0x0], $0xffff;
	_ =	sdelay $0x3  }
0x45: {  	v38 =	vld [tilespmem:$0x4860]  }
0x46: {  	[tilespmem:$0x4A40] =	vst v0  }
0x47: {  	v0 =	vld.idx.msk [tilespmem:v37+s4+$0x0], $0xffff;
	_ =	sdelay $0x3  }
0x48: {  	v39 =	vld [tilespmem:$0x4870]  }
0x49: {  	[tilespmem:$0x4A50] =	vst v0  }
0x4a: {  	v0 =	vld.idx.msk [tilespmem:v38+s4+$0x0], $0xffff;
	_ =	sdelay $0x3  }
0x4b: {  	v40 =	vld [tilespmem:$0x4880]  }
0x4c: {  	[tilespmem:$0x4A60] =	vst v0  }
0x4d: {  	v0 =	vld.idx.msk [tilespmem:v39+s4+$0x0], $0xffff;
	_ =	sdelay $0x3  }
0x4e: {  	v41 =	vld [tilespmem:$0x4890]  }
0x4f: {  	[tilespmem:$0x4A70] =	vst v0  }
0x50: {  	v0 =	vld.idx.msk [tilespmem:v40+s4+$0x0], $0xffff;
	_ =	sdelay $0x3  }
0x51: {  	v42 =	vld [tilespmem:$0x48A0]  }
0x52: {  	[tilespmem:$0x4A80] =	vst v0  }
0x53: {  	v0 =	vld.idx.msk [tilespmem:v41+s4+$0x0], $0xffff;
	_ =	sdelay $0x3  }
0x54: {  	v43 =	vld [tilespmem:$0x48B0]  }
0x55: {  	[tilespmem:$0x4A90] =	vst v0  }
0x56: {  	v0 =	vld.idx.msk [tilespmem:v42+s4+$0x0], $0xffff;
	_ =	sdelay $0x3  }
0x57: {  	v44 =	vld [tilespmem:$0x48C0]  }
0x58: {  	[tilespmem:$0x4AA0] =	vst v0  }
0x59: {  	v0 =	vld.idx.msk [tilespmem:v43+s4+$0x0], $0xffff;
	_ =	sdelay $0x3  }
0x5a: {  	v45 =	vld [tilespmem:$0x48D0]  }
0x5b: {  	[tilespmem:$0x4AB0] =	vst v0  }
0x5c: {  	v0 =	vld.idx.msk [tilespmem:v44+s4+$0x0], $0xffff;
	_ =	sdelay $0x3  }
0x5d: {  	v46 =	vld [tilespmem:$0x48E0]  }
0x5e: {  	[tilespmem:$0x4AC0] =	vst v0  }
0x5f: {  	v0 =	vld.idx.msk [tilespmem:v45+s4+$0x0], $0xffff;
	_ =	sdelay $0x3  }
0x60: {  	v47 =	vld [tilespmem:$0x48F0]  }
0x61: {  	[tilespmem:$0x4AD0] =	vst v0  }
0x62: {  	v0 =	vld.idx.msk [tilespmem:v46+s4+$0x0], $0xffff;
	_ =	sdelay $0x3  }
0x63: {  	v48 =	vld [tilespmem:$0x4900]  }
0x64: {  	[tilespmem:$0x4AE0] =	vst v0  }
0x65: {  	v0 =	vld.idx.msk [tilespmem:v47+s4+$0x0], $0xffff;
	_ =	sdelay $0x3  }
0x66: {  	v49 =	vld [tilespmem:$0x4910]  }
0x67: {  	[tilespmem:$0x4AF0] =	vst v0  }
0x68: {  	v0 =	vld.idx.msk [tilespmem:v48+s4+$0x0], $0xffff;
	_ =	sdelay $0x3  }
0x69: {  	v50 =	vld [tilespmem:$0x4920]  }
0x6a: {  	[tilespmem:$0x4B00] =	vst v0  }
0x6b: {  	v0 =	vld.idx.msk [tilespmem:v49+s4+$0x0], $0xffff;
	_ =	sdelay $0x3  }
0x6c: {  	v51 =	vld [tilespmem:$0x4930]  }
0x6d: {  	[tilespmem:$0x4B10] =	vst v0  }
0x6e: {  	v0 =	vld.idx.msk [tilespmem:v50+s4+$0x0], $0xffff;
	_ =	sdelay $0x3  }
0x6f: {  	v52 =	vld [tilespmem:$0x4940]  }
0x70: {  	[tilespmem:$0x4B20] =	vst v0  }
0x71: {  	v0 =	vld.idx.msk [tilespmem:v51+s4+$0x0], $0xffff;
	_ =	sdelay $0x3  }
0x72: {  	v53 =	vld [tilespmem:$0x4950]  }
0x73: {  	[tilespmem:$0x4B30] =	vst v0  }
0x74: {  	v0 =	vld.idx.msk [tilespmem:v52+s4+$0x0], $0xffff;
	_ =	sdelay $0x3  }
0x75: {  	v54 =	vld [tilespmem:$0x4960]  }
0x76: {  	[tilespmem:$0x4B40] =	vst v0  }
0x77: {  	v0 =	vld.idx.msk [tilespmem:v53+s4+$0x0], $0xffff;
	_ =	sdelay $0x3  }
0x78: {  	v55 =	vld [tilespmem:$0x4970]  }
0x79: {  	[tilespmem:$0x4B50] =	vst v0  }
0x7a: {  	v0 =	vld.idx.msk [tilespmem:v54+s4+$0x0], $0xffff;
	_ =	sdelay $0x3  }
0x7b: {  	v56 =	vld [tilespmem:$0x4980]  }
0x7c: {  	[tilespmem:$0x4B60] =	vst v0  }
0x7d: {  	v0 =	vld.idx.msk [tilespmem:v55+s4+$0x0], $0xffff;
	_ =	sdelay $0x3  }
0x7e: {  	v57 =	vld [tilespmem:$0x4990]  }
0x7f: {  	[tilespmem:$0x4B70] =	vst v0  }
0x80: {  	v0 =	vld.idx.msk [tilespmem:v56+s4+$0x0], $0xffff;
	_ =	sdelay $0x3  }
0x81: {  	v58 =	vld [tilespmem:$0x49A0]  }
0x82: {  	[tilespmem:$0x4B80] =	vst v0  }
0x83: {  	v0 =	vld.idx.msk [tilespmem:v57+s4+$0x0], $0xffff;
	_ =	sdelay $0x3  }
0x84: {  	v59 =	vld [tilespmem:$0x49B0]  }
0x85: {  	[tilespmem:$0x4B90] =	vst v0  }
0x86: {  	v0 =	vld.idx.msk [tilespmem:v58+s4+$0x0], $0xffff;
	_ =	sdelay $0x3  }
0x87: {  	v60 =	vld [tilespmem:$0x49C0]  }
0x88: {  	[tilespmem:$0x4BA0] =	vst v0  }
0x89: {  	v0 =	vld.idx.msk [tilespmem:v59+s4+$0x0], $0xffff;
	_ =	sdelay $0x3  }
0x8a: {  	v61 =	vld [tilespmem:$0x49D0]  }
0x8b: {  	[tilespmem:$0x4BB0] =	vst v0  }
0x8c: {  	v0 =	vld.idx.msk [tilespmem:v60+s4+$0x0], $0xffff;
	_ =	sdelay $0x3  }
0x8d: {  	v62 =	vld [tilespmem:$0x49E0]  }
0x8e: {  	[tilespmem:$0x4BC0] =	vst v0  }
0x8f: {  	v0 =	vld.idx.msk [tilespmem:v61+s4+$0x0], $0xffff;
	_ =	sdelay $0x3  }
0x90: {  	v63 =	vld [tilespmem:$0x49F0]  }
0x91: {  	[tilespmem:$0x4BD0] =	vst v0  }
0x92: {  	v0 =	vld.idx.msk [tilespmem:v62+s4+$0x0], $0xffff;
	_ =	sdelay $0x4  }
0x93: {  	[tilespmem:$0x4BE0] =	vst v0  }
0x94: {  	v0 =	vld.idx.msk [tilespmem:v63+s4+$0x0], $0xffff;
	_ =	sdelay $0x4  }
0x95: {  	s2 =	sadd.s32 s3, s2;
	s30 =	simm.s32 $0x4A00;
	s31 =	simm.s32 $0x2;
	[tilespmem:$0x4BF0] =	vst v0  }
0x96: {  	[hbm4b:s2+s4] =	stream.linear.scatter [tilespmem:s30], [sflag:$0x2], $0x200, $0x38;
	[tilespmem:$0x4C00] =	vst v63  }
0x97: {  	_ =	swait.ge [sflag:s31], $0x200  }
0x98: {  	[sflag:s31] =	ssyncset.done $0x0  }
0x99: {  	[sflag:s31] =	ssyncadd.s32 $0xFFFFFE00  }
0x9a: {  	_ =	sfence.sel $0x180000  }
0x9b: {  	[bflag:$0x0] =	sbarrier.arrive $0xFFFF  }
0x9c: {  	p0 =	sne.s32 s1, $0x0;
	_ =	strace $0x90000047  }
0x9d: {  	s0 =	sadd.s32 @!p0 $0x100000, s0;
	[bflag:$0x2] =	sbarrier.arrive $0xFFFF  }
0x9e: {  	[sflag:s0] =	ssyncadd.tile.s32 @!p0 $0x1;
	_ =	shalt  }
.Lfunc_end2:
_tile_overlayer_lowered:
.L_overlay_start_2:
0x9f: {  	(tag) =	ssettag $0x2  }
0xa0: {  	s0 =	rddreg [dreg:$0x0];
	s2 =	stileid.u32  }
0xa1: {  	s1 =	rddreg [dreg:$0x1];
	p0 =	sne.s32 s2, $0x0  }
0xa2: {  	s3 =	rddreg [dreg:$0x2];
	[bflag:$0x3] =	sbarrier.arrive $0xFFFF;
	s2 =	simm.s32 @!p0 $0x1C02  }
0xa3: {  	[timem:s3], [sflag:s2] =	dma.local @!p0 [hbm:s0], s1  }
0xa4: {  	s0 =	simm.s32 @!p0 $0x2  }
0xa5: {  	_ =	swait.ge @!p0 [sflag:s0], s1  }
0xa6: {  	s1 =	ssub.s32 @!p0 $0x0, s1;
	[sflag:s0] =	ssyncset.done @!p0 $0x0  }
0xa7: {  	[sflag:s0] =	ssyncadd.s32 @!p0 s1  }
0xa8: {  	[bflag:$0x3] =	sbarrier.arrive $0xFFFF  }
0xa9: {  	_ =	shalt  }

</sc_bundles>
